<compile_context>
chip_gen: v7x
topology: tpu7x:2x2x1
jax: 0.10.2.dev20260603
libtpu: 0.0.44.dev20260713+nightly
codegen_flags: <defaults>
</compile_context>

<pallas_src>
import functools

import jax
import jax.numpy as jnp
from jax import lax
from jax.experimental import pallas as pl
from jax.experimental.pallas import tpu as pltpu
from jax.experimental.pallas import tpu_sc as plsc

N = 1024
D = 32
M = 100000
K = 16
CHUNK = 448
NCHUNK = -(-M // CHUNK)
MPAD = CHUNK * NCHUNK
INT_MAX = jnp.iinfo(jnp.int32).max


def _topk_body(q_ref, t_ref, vals_ref, idx_ref):
    i = pl.program_id(0)

    st = lax.dot_general(
        t_ref[...], q_ref[...], (((1,), (1,)), ((), ())),
        preferred_element_type=jnp.float32)
    ridx = lax.broadcasted_iota(jnp.int32, (CHUNK, N), 0)
    st = jnp.where(ridx >= M - i * CHUNK, -jnp.inf, st)

    @pl.when(i == 0)
    def _bootstrap():
        ms, ams = [], []
        s = st
        for j in range(K):
            m = jnp.max(s, axis=0, keepdims=True)
            am = jnp.min(jnp.where(s == m, ridx, INT_MAX), axis=0,
                         keepdims=True)
            ms.append(m)
            ams.append(am)
            if j < K - 1:
                s = jnp.where(ridx == am, -jnp.inf, s)
        vals_ref[...] = jnp.concatenate(ms, axis=0)
        idx_ref[...] = jnp.concatenate(ams, axis=0)

    @pl.when(i > 0)
    def _threshold_extract():
        rv0 = vals_ref[...]
        ri0 = idx_ref[...]
        m0 = jnp.max(st, axis=0, keepdims=True)

        def cond(carry):
            _, rv, _, m = carry
            return jnp.any(m > rv[K - 1:K, :])

        def body(carry):
            s, rv, ri, m = carry
            am = jnp.min(jnp.where(s == m, ridx, INT_MAX), axis=0,
                         keepdims=True)
            gi = am + i * CHUNK
            ge = (rv > m) | ((rv == m) & (ri < gi))
            ge_s = jnp.concatenate(
                [jnp.ones((1, N), jnp.int32),
                 ge.astype(jnp.int32)[:K - 1, :]], axis=0) != 0
            rv_s = jnp.concatenate(
                [jnp.full((1, N), -jnp.inf, jnp.float32), rv[:K - 1, :]],
                axis=0)
            ri_s = jnp.concatenate(
                [jnp.full((1, N), INT_MAX, jnp.int32), ri[:K - 1, :]],
                axis=0)
            mb = jnp.broadcast_to(m, (K, N))
            gib = jnp.broadcast_to(gi, (K, N))
            rv = jnp.where(ge, rv, jnp.where(ge_s, mb, rv_s))
            ri = jnp.where(ge, ri, jnp.where(ge_s, gib, ri_s))
            s = jnp.where(ridx == am, -jnp.inf, s)
            m = jnp.max(s, axis=0, keepdims=True)
            return s, rv, ri, m

        _, rv, ri, _ = lax.while_loop(cond, body, (st, rv0, ri0, m0))
        vals_ref[...] = rv
        idx_ref[...] = ri


def _topk(query, queue_padded, interpret=False):
    return pl.pallas_call(
        _topk_body,
        grid=(NCHUNK,),
        in_specs=[
            pl.BlockSpec((N, D), lambda i: (0, 0)),
            pl.BlockSpec((CHUNK, D), lambda i: (i, 0)),
        ],
        out_specs=[
            pl.BlockSpec((K, N), lambda i: (0, 0)),
            pl.BlockSpec((K, N), lambda i: (0, 0)),
        ],
        out_shape=[
            jax.ShapeDtypeStruct((K, N), jnp.float32),
            jax.ShapeDtypeStruct((K, N), jnp.int32),
        ],
        compiler_params=pltpu.CompilerParams(
            dimension_semantics=("arbitrary",)),
        interpret=interpret,
    )(query, queue_padded)


_SC_WORKERS = 32
_ROWS_PER_W = (N * K) // _SC_WORKERS
_IDX_CHUNK = 128
_NJ = _ROWS_PER_W // _IDX_CHUNK


def _gather_sc(queue, flat_idx):
    mesh = plsc.VectorSubcoreMesh(core_axis_name="c", subcore_axis_name="s")

    @functools.partial(
        pl.kernel, mesh=mesh,
        out_type=jax.ShapeDtypeStruct((N * K, D), jnp.float32),
        scratch_types=[
            pltpu.VMEM((_IDX_CHUNK,), jnp.int32),
            pltpu.VMEM((_IDX_CHUNK, D), jnp.float32),
            pltpu.SemaphoreType.DMA,
        ],
        compiler_params=pltpu.CompilerParams(use_tc_tiling_on_sc=False),
    )
    def gk(table_hbm, idx_hbm, out_hbm, idx_v, rows_v, sem):
        wid = lax.axis_index("s") * 2 + lax.axis_index("c")
        base = wid * _ROWS_PER_W
        for j in range(_NJ):
            off = base + j * _IDX_CHUNK
            pltpu.sync_copy(idx_hbm.at[pl.ds(off, _IDX_CHUNK)], idx_v)
            pltpu.async_copy(table_hbm.at[idx_v], rows_v, sem).wait()
            pltpu.sync_copy(rows_v, out_hbm.at[pl.ds(off, _IDX_CHUNK)])

    return gk(queue, flat_idx)


def kernel(query, queue, k):
    queue_padded = jnp.pad(queue, ((0, MPAD - M), (0, 0)))
    vals_t, idx_t = _topk(query, queue_padded)
    values = vals_t.T
    indices = idx_t.T
    neighbors = _gather_sc(queue, indices.reshape(N * K)).reshape(N, K, D)
    values = values + (jnp.asarray(k, jnp.float32) - jnp.float32(K))
    return neighbors, values

# --- scband reference (transcript-rebuilt; emitter-appended) ---
"""Pipeline reference for scband-memory-bank-45019847196883 (READ-ONLY COPY).

The authoritative reference and input builder live on the scoring server;
editing this copy changes nothing except your own understanding.
"""

import jax, jax.numpy as jnp
import numpy as np

EMBED_DIM = 32
QUEUE_SIZE = 100000
N_QUERY = 1024
K = 16


def setup_inputs(seed: int = 0) -> dict:
    key = jax.random.key(seed)
    kq, kt = jax.random.split(key)
    query = jax.random.normal(kq, (N_QUERY, EMBED_DIM), dtype=jnp.float32)
    # The MemoryBank buffer: randn then L2-normalized along dim=1, as in __init__
    queue = jax.random.normal(kt, (QUEUE_SIZE, EMBED_DIM), dtype=jnp.float32)
    queue = queue / jnp.linalg.norm(queue, axis=1, keepdims=True)
    return {"query": query, "queue": queue, "k": K}


def reference(query, queue, k):
    # MemoryBank.neighbors(query, k, normalize=False):
    #   sim = self.query(query) = einsum('nc,kc->nk', query, self.queue)
    #   values, indices = topk(sim, k, dim=1)
    #   neighbors = self.queue[indices, :]
    sim = jnp.einsum('nc,kc->nk', query, queue)
    values, indices = jax.lax.top_k(sim, K)
    values = values + jnp.asarray(k - K, dtype=values.dtype)
    neighbors = jnp.take(queue, indices, axis=0)  # (n, k, d)
    return (neighbors, values)

if __name__ == "__main__":
    import jax
    _d = setup_inputs()
    print(jax.jit(kernel)(*tuple(_d.values())))

</pallas_src>

<mosaic_0001>
#map = affine_map<(d0, d1) -> (0, 0)>
#map1 = affine_map<(d0, d1) -> (0)>
module attributes {stable_mosaic.version = 14 : i64} {
  func.func @gk(%arg0: i32, %arg1: i32, %arg2: memref<100000x32xf32, #tpu.memory_space<hbm>>, %arg3: memref<16384xi32, #tpu.memory_space<hbm>>, %arg4: memref<16384x32xf32, #tpu.memory_space<hbm>>, %arg5: memref<128xi32, #tpu.memory_space<vmem>>, %arg6: memref<128x32xf32, #tpu.memory_space<vmem>>, %arg7: memref<!tpu.dma_semaphore, #tpu.memory_space<semaphore_mem>>) attributes {dimension_semantics = [#tpu.dimension_semantics<core_parallel>, #tpu.dimension_semantics<subcore_parallel>], iteration_bounds = array<i64: 2, 16>, scalar_prefetch = 0 : i64, scratch_operands = 3 : i64, tpu.core_type = #tpu.core_type<sc_vector_subcore>, window_params = [{transform_indices = #map}, {transform_indices = #map1}, {transform_indices = #map}]} {
    %mul3A = arith.constant 2 : i32
    %mul3A_0 = arith.muli %arg1, %mul3A : i32
    %add3A = arith.addi %mul3A_0, %arg0 : i32
    %mul3A_1 = arith.constant 512 : i32
    %mul3A_2 = arith.muli %add3A, %mul3A_1 : i32
    %add3A_3 = arith.constant 0 : i32
    %add3A_4 = arith.addi %mul3A_2, %add3A_3 : i32
    "tpu.region"() ({
      %run_scoped3A = tpu.sem_alloc : memref<!tpu.dma_semaphore, #tpu.memory_space<semaphore_mem>>
      %dma_start3A_33 = tpu.memref_slice %arg3[%add3A_4] : memref<16384xi32, #tpu.memory_space<hbm>> -> memref<128xi32, #tpu.memory_space<hbm>>
      %dma_start3A_34 = tpu.memref_slice %arg3[%add3A_4] : memref<16384xi32, #tpu.memory_space<hbm>> -> memref<128xi32, #tpu.memory_space<hbm>>
      tpu.enqueue_dma source(%dma_start3A_34 : memref<128xi32, #tpu.memory_space<hbm>>) target(%arg5 : memref<128xi32, #tpu.memory_space<vmem>>) target_semaphore(%run_scoped3A : memref<!tpu.dma_semaphore, #tpu.memory_space<semaphore_mem>>)
      %dma_wait3A_35 = tpu.memref_slice %arg3[%add3A_4] : memref<16384xi32, #tpu.memory_space<hbm>> -> memref<128xi32, #tpu.memory_space<hbm>>
      %dma_wait3A_36 = tpu.memref_slice %arg3[%add3A_4] : memref<16384xi32, #tpu.memory_space<hbm>> -> memref<128xi32, #tpu.memory_space<hbm>>
      tpu.wait_dma2 semaphore(%run_scoped3A : memref<!tpu.dma_semaphore, #tpu.memory_space<semaphore_mem>>) src(%dma_wait3A_36 : memref<128xi32, #tpu.memory_space<hbm>>) dst(%arg5 : memref<128xi32, #tpu.memory_space<vmem>>)
      tpu.yield
    }) : () -> ()
    %dma_start3A = arith.constant 0 : i32
    %dma_start3A_5 = arith.constant 0 : i32
    %dma_start3A_6 = tpu.memref_slice %arg2[%dma_start3A, %dma_start3A_5] : memref<100000x32xf32, #tpu.memory_space<hbm>> -> memref<100000x32xf32, #tpu.memory_space<hbm>>
    tpu.enqueue_indirect_dma source(%dma_start3A_6 : memref<100000x32xf32, #tpu.memory_space<hbm>>) target(%arg6 : memref<128x32xf32, #tpu.memory_space<vmem>>) offsets(%arg5 : memref<128xi32, #tpu.memory_space<vmem>>) semaphore(%arg7 : memref<!tpu.dma_semaphore, #tpu.memory_space<semaphore_mem>>)
    %dma_wait3A = arith.constant 0 : i32
    %dma_wait3A_7 = arith.constant 0 : i32
    %dma_wait3A_8 = tpu.memref_slice %arg2[%dma_wait3A, %dma_wait3A_7] : memref<100000x32xf32, #tpu.memory_space<hbm>> -> memref<100000x32xf32, #tpu.memory_space<hbm>>
    tpu.wait_indirect_dma semaphore(%arg7 : memref<!tpu.dma_semaphore, #tpu.memory_space<semaphore_mem>>) src(%dma_wait3A_8 : memref<100000x32xf32, #tpu.memory_space<hbm>>) dst(%arg6 : memref<128x32xf32, #tpu.memory_space<vmem>>)
    "tpu.region"() ({
      %run_scoped3A = tpu.sem_alloc : memref<!tpu.dma_semaphore, #tpu.memory_space<semaphore_mem>>
      %dma_start3A_33 = arith.constant 0 : i32
      %dma_start3A_34 = tpu.memref_slice %arg4[%add3A_4, %dma_start3A_33] : memref<16384x32xf32, #tpu.memory_space<hbm>> -> memref<128x32xf32, #tpu.memory_space<hbm>>
      %dma_start3A_35 = arith.constant 0 : i32
      %dma_start3A_36 = tpu.memref_slice %arg4[%add3A_4, %dma_start3A_35] : memref<16384x32xf32, #tpu.memory_space<hbm>> -> memref<128x32xf32, #tpu.memory_space<hbm>>
      tpu.enqueue_dma source(%arg6 : memref<128x32xf32, #tpu.memory_space<vmem>>) target(%dma_start3A_36 : memref<128x32xf32, #tpu.memory_space<hbm>>) target_semaphore(%run_scoped3A : memref<!tpu.dma_semaphore, #tpu.memory_space<semaphore_mem>>)
      %dma_wait3A_37 = arith.constant 0 : i32
      %dma_wait3A_38 = tpu.memref_slice %arg4[%add3A_4, %dma_wait3A_37] : memref<16384x32xf32, #tpu.memory_space<hbm>> -> memref<128x32xf32, #tpu.memory_space<hbm>>
      %dma_wait3A_39 = arith.constant 0 : i32
      %dma_wait3A_40 = tpu.memref_slice %arg4[%add3A_4, %dma_wait3A_39] : memref<16384x32xf32, #tpu.memory_space<hbm>> -> memref<128x32xf32, #tpu.memory_space<hbm>>
      tpu.wait_dma2 semaphore(%run_scoped3A : memref<!tpu.dma_semaphore, #tpu.memory_space<semaphore_mem>>) src(%arg6 : memref<128x32xf32, #tpu.memory_space<vmem>>) dst(%dma_wait3A_40 : memref<128x32xf32, #tpu.memory_space<hbm>>)
      tpu.yield
    }) : () -> ()
    %add3A_9 = arith.constant 128 : i32
    %add3A_10 = arith.addi %mul3A_2, %add3A_9 : i32
    "tpu.region"() ({
      %run_scoped3A = tpu.sem_alloc : memref<!tpu.dma_semaphore, #tpu.memory_space<semaphore_mem>>
      %dma_start3A_33 = tpu.memref_slice %arg3[%add3A_10] : memref<16384xi32, #tpu.memory_space<hbm>> -> memref<128xi32, #tpu.memory_space<hbm>>
      %dma_start3A_34 = tpu.memref_slice %arg3[%add3A_10] : memref<16384xi32, #tpu.memory_space<hbm>> -> memref<128xi32, #tpu.memory_space<hbm>>
      tpu.enqueue_dma source(%dma_start3A_34 : memref<128xi32, #tpu.memory_space<hbm>>) target(%arg5 : memref<128xi32, #tpu.memory_space<vmem>>) target_semaphore(%run_scoped3A : memref<!tpu.dma_semaphore, #tpu.memory_space<semaphore_mem>>)
      %dma_wait3A_35 = tpu.memref_slice %arg3[%add3A_10] : memref<16384xi32, #tpu.memory_space<hbm>> -> memref<128xi32, #tpu.memory_space<hbm>>
      %dma_wait3A_36 = tpu.memref_slice %arg3[%add3A_10] : memref<16384xi32, #tpu.memory_space<hbm>> -> memref<128xi32, #tpu.memory_space<hbm>>
      tpu.wait_dma2 semaphore(%run_scoped3A : memref<!tpu.dma_semaphore, #tpu.memory_space<semaphore_mem>>) src(%dma_wait3A_36 : memref<128xi32, #tpu.memory_space<hbm>>) dst(%arg5 : memref<128xi32, #tpu.memory_space<vmem>>)
      tpu.yield
    }) : () -> ()
    %dma_start3A_11 = arith.constant 0 : i32
    %dma_start3A_12 = arith.constant 0 : i32
    %dma_start3A_13 = tpu.memref_slice %arg2[%dma_start3A_11, %dma_start3A_12] : memref<100000x32xf32, #tpu.memory_space<hbm>> -> memref<100000x32xf32, #tpu.memory_space<hbm>>
    tpu.enqueue_indirect_dma source(%dma_start3A_13 : memref<100000x32xf32, #tpu.memory_space<hbm>>) target(%arg6 : memref<128x32xf32, #tpu.memory_space<vmem>>) offsets(%arg5 : memref<128xi32, #tpu.memory_space<vmem>>) semaphore(%arg7 : memref<!tpu.dma_semaphore, #tpu.memory_space<semaphore_mem>>)
    %dma_wait3A_14 = arith.constant 0 : i32
    %dma_wait3A_15 = arith.constant 0 : i32
    %dma_wait3A_16 = tpu.memref_slice %arg2[%dma_wait3A_14, %dma_wait3A_15] : memref<100000x32xf32, #tpu.memory_space<hbm>> -> memref<100000x32xf32, #tpu.memory_space<hbm>>
    tpu.wait_indirect_dma semaphore(%arg7 : memref<!tpu.dma_semaphore, #tpu.memory_space<semaphore_mem>>) src(%dma_wait3A_16 : memref<100000x32xf32, #tpu.memory_space<hbm>>) dst(%arg6 : memref<128x32xf32, #tpu.memory_space<vmem>>)
    "tpu.region"() ({
      %run_scoped3A = tpu.sem_alloc : memref<!tpu.dma_semaphore, #tpu.memory_space<semaphore_mem>>
      %dma_start3A_33 = arith.constant 0 : i32
      %dma_start3A_34 = tpu.memref_slice %arg4[%add3A_10, %dma_start3A_33] : memref<16384x32xf32, #tpu.memory_space<hbm>> -> memref<128x32xf32, #tpu.memory_space<hbm>>
      %dma_start3A_35 = arith.constant 0 : i32
      %dma_start3A_36 = tpu.memref_slice %arg4[%add3A_10, %dma_start3A_35] : memref<16384x32xf32, #tpu.memory_space<hbm>> -> memref<128x32xf32, #tpu.memory_space<hbm>>
      tpu.enqueue_dma source(%arg6 : memref<128x32xf32, #tpu.memory_space<vmem>>) target(%dma_start3A_36 : memref<128x32xf32, #tpu.memory_space<hbm>>) target_semaphore(%run_scoped3A : memref<!tpu.dma_semaphore, #tpu.memory_space<semaphore_mem>>)
      %dma_wait3A_37 = arith.constant 0 : i32
      %dma_wait3A_38 = tpu.memref_slice %arg4[%add3A_10, %dma_wait3A_37] : memref<16384x32xf32, #tpu.memory_space<hbm>> -> memref<128x32xf32, #tpu.memory_space<hbm>>
      %dma_wait3A_39 = arith.constant 0 : i32
      %dma_wait3A_40 = tpu.memref_slice %arg4[%add3A_10, %dma_wait3A_39] : memref<16384x32xf32, #tpu.memory_space<hbm>> -> memref<128x32xf32, #tpu.memory_space<hbm>>
      tpu.wait_dma2 semaphore(%run_scoped3A : memref<!tpu.dma_semaphore, #tpu.memory_space<semaphore_mem>>) src(%arg6 : memref<128x32xf32, #tpu.memory_space<vmem>>) dst(%dma_wait3A_40 : memref<128x32xf32, #tpu.memory_space<hbm>>)
      tpu.yield
    }) : () -> ()
    %add3A_17 = arith.constant 256 : i32
    %add3A_18 = arith.addi %mul3A_2, %add3A_17 : i32
    "tpu.region"() ({
      %run_scoped3A = tpu.sem_alloc : memref<!tpu.dma_semaphore, #tpu.memory_space<semaphore_mem>>
      %dma_start3A_33 = tpu.memref_slice %arg3[%add3A_18] : memref<16384xi32, #tpu.memory_space<hbm>> -> memref<128xi32, #tpu.memory_space<hbm>>
      %dma_start3A_34 = tpu.memref_slice %arg3[%add3A_18] : memref<16384xi32, #tpu.memory_space<hbm>> -> memref<128xi32, #tpu.memory_space<hbm>>
      tpu.enqueue_dma source(%dma_start3A_34 : memref<128xi32, #tpu.memory_space<hbm>>) target(%arg5 : memref<128xi32, #tpu.memory_space<vmem>>) target_semaphore(%run_scoped3A : memref<!tpu.dma_semaphore, #tpu.memory_space<semaphore_mem>>)
      %dma_wait3A_35 = tpu.memref_slice %arg3[%add3A_18] : memref<16384xi32, #tpu.memory_space<hbm>> -> memref<128xi32, #tpu.memory_space<hbm>>
      %dma_wait3A_36 = tpu.memref_slice %arg3[%add3A_18] : memref<16384xi32, #tpu.memory_space<hbm>> -> memref<128xi32, #tpu.memory_space<hbm>>
      tpu.wait_dma2 semaphore(%run_scoped3A : memref<!tpu.dma_semaphore, #tpu.memory_space<semaphore_mem>>) src(%dma_wait3A_36 : memref<128xi32, #tpu.memory_space<hbm>>) dst(%arg5 : memref<128xi32, #tpu.memory_space<vmem>>)
      tpu.yield
    }) : () -> ()
    %dma_start3A_19 = arith.constant 0 : i32
    %dma_start3A_20 = arith.constant 0 : i32
    %dma_start3A_21 = tpu.memref_slice %arg2[%dma_start3A_19, %dma_start3A_20] : memref<100000x32xf32, #tpu.memory_space<hbm>> -> memref<100000x32xf32, #tpu.memory_space<hbm>>
    tpu.enqueue_indirect_dma source(%dma_start3A_21 : memref<100000x32xf32, #tpu.memory_space<hbm>>) target(%arg6 : memref<128x32xf32, #tpu.memory_space<vmem>>) offsets(%arg5 : memref<128xi32, #tpu.memory_space<vmem>>) semaphore(%arg7 : memref<!tpu.dma_semaphore, #tpu.memory_space<semaphore_mem>>)
    %dma_wait3A_22 = arith.constant 0 : i32
    %dma_wait3A_23 = arith.constant 0 : i32
    %dma_wait3A_24 = tpu.memref_slice %arg2[%dma_wait3A_22, %dma_wait3A_23] : memref<100000x32xf32, #tpu.memory_space<hbm>> -> memref<100000x32xf32, #tpu.memory_space<hbm>>
    tpu.wait_indirect_dma semaphore(%arg7 : memref<!tpu.dma_semaphore, #tpu.memory_space<semaphore_mem>>) src(%dma_wait3A_24 : memref<100000x32xf32, #tpu.memory_space<hbm>>) dst(%arg6 : memref<128x32xf32, #tpu.memory_space<vmem>>)
    "tpu.region"() ({
      %run_scoped3A = tpu.sem_alloc : memref<!tpu.dma_semaphore, #tpu.memory_space<semaphore_mem>>
      %dma_start3A_33 = arith.constant 0 : i32
      %dma_start3A_34 = tpu.memref_slice %arg4[%add3A_18, %dma_start3A_33] : memref<16384x32xf32, #tpu.memory_space<hbm>> -> memref<128x32xf32, #tpu.memory_space<hbm>>
      %dma_start3A_35 = arith.constant 0 : i32
      %dma_start3A_36 = tpu.memref_slice %arg4[%add3A_18, %dma_start3A_35] : memref<16384x32xf32, #tpu.memory_space<hbm>> -> memref<128x32xf32, #tpu.memory_space<hbm>>
      tpu.enqueue_dma source(%arg6 : memref<128x32xf32, #tpu.memory_space<vmem>>) target(%dma_start3A_36 : memref<128x32xf32, #tpu.memory_space<hbm>>) target_semaphore(%run_scoped3A : memref<!tpu.dma_semaphore, #tpu.memory_space<semaphore_mem>>)
      %dma_wait3A_37 = arith.constant 0 : i32
      %dma_wait3A_38 = tpu.memref_slice %arg4[%add3A_18, %dma_wait3A_37] : memref<16384x32xf32, #tpu.memory_space<hbm>> -> memref<128x32xf32, #tpu.memory_space<hbm>>
      %dma_wait3A_39 = arith.constant 0 : i32
      %dma_wait3A_40 = tpu.memref_slice %arg4[%add3A_18, %dma_wait3A_39] : memref<16384x32xf32, #tpu.memory_space<hbm>> -> memref<128x32xf32, #tpu.memory_space<hbm>>
      tpu.wait_dma2 semaphore(%run_scoped3A : memref<!tpu.dma_semaphore, #tpu.memory_space<semaphore_mem>>) src(%arg6 : memref<128x32xf32, #tpu.memory_space<vmem>>) dst(%dma_wait3A_40 : memref<128x32xf32, #tpu.memory_space<hbm>>)
      tpu.yield
    }) : () -> ()
    %add3A_25 = arith.constant 384 : i32
    %add3A_26 = arith.addi %mul3A_2, %add3A_25 : i32
    "tpu.region"() ({
      %run_scoped3A = tpu.sem_alloc : memref<!tpu.dma_semaphore, #tpu.memory_space<semaphore_mem>>
      %dma_start3A_33 = tpu.memref_slice %arg3[%add3A_26] : memref<16384xi32, #tpu.memory_space<hbm>> -> memref<128xi32, #tpu.memory_space<hbm>>
      %dma_start3A_34 = tpu.memref_slice %arg3[%add3A_26] : memref<16384xi32, #tpu.memory_space<hbm>> -> memref<128xi32, #tpu.memory_space<hbm>>
      tpu.enqueue_dma source(%dma_start3A_34 : memref<128xi32, #tpu.memory_space<hbm>>) target(%arg5 : memref<128xi32, #tpu.memory_space<vmem>>) target_semaphore(%run_scoped3A : memref<!tpu.dma_semaphore, #tpu.memory_space<semaphore_mem>>)
      %dma_wait3A_35 = tpu.memref_slice %arg3[%add3A_26] : memref<16384xi32, #tpu.memory_space<hbm>> -> memref<128xi32, #tpu.memory_space<hbm>>
      %dma_wait3A_36 = tpu.memref_slice %arg3[%add3A_26] : memref<16384xi32, #tpu.memory_space<hbm>> -> memref<128xi32, #tpu.memory_space<hbm>>
      tpu.wait_dma2 semaphore(%run_scoped3A : memref<!tpu.dma_semaphore, #tpu.memory_space<semaphore_mem>>) src(%dma_wait3A_36 : memref<128xi32, #tpu.memory_space<hbm>>) dst(%arg5 : memref<128xi32, #tpu.memory_space<vmem>>)
      tpu.yield
    }) : () -> ()
    %dma_start3A_27 = arith.constant 0 : i32
    %dma_start3A_28 = arith.constant 0 : i32
    %dma_start3A_29 = tpu.memref_slice %arg2[%dma_start3A_27, %dma_start3A_28] : memref<100000x32xf32, #tpu.memory_space<hbm>> -> memref<100000x32xf32, #tpu.memory_space<hbm>>
    tpu.enqueue_indirect_dma source(%dma_start3A_29 : memref<100000x32xf32, #tpu.memory_space<hbm>>) target(%arg6 : memref<128x32xf32, #tpu.memory_space<vmem>>) offsets(%arg5 : memref<128xi32, #tpu.memory_space<vmem>>) semaphore(%arg7 : memref<!tpu.dma_semaphore, #tpu.memory_space<semaphore_mem>>)
    %dma_wait3A_30 = arith.constant 0 : i32
    %dma_wait3A_31 = arith.constant 0 : i32
    %dma_wait3A_32 = tpu.memref_slice %arg2[%dma_wait3A_30, %dma_wait3A_31] : memref<100000x32xf32, #tpu.memory_space<hbm>> -> memref<100000x32xf32, #tpu.memory_space<hbm>>
    tpu.wait_indirect_dma semaphore(%arg7 : memref<!tpu.dma_semaphore, #tpu.memory_space<semaphore_mem>>) src(%dma_wait3A_32 : memref<100000x32xf32, #tpu.memory_space<hbm>>) dst(%arg6 : memref<128x32xf32, #tpu.memory_space<vmem>>)
    "tpu.region"() ({
      %run_scoped3A = tpu.sem_alloc : memref<!tpu.dma_semaphore, #tpu.memory_space<semaphore_mem>>
      %dma_start3A_33 = arith.constant 0 : i32
      %dma_start3A_34 = tpu.memref_slice %arg4[%add3A_26, %dma_start3A_33] : memref<16384x32xf32, #tpu.memory_space<hbm>> -> memref<128x32xf32, #tpu.memory_space<hbm>>
      %dma_start3A_35 = arith.constant 0 : i32
      %dma_start3A_36 = tpu.memref_slice %arg4[%add3A_26, %dma_start3A_35] : memref<16384x32xf32, #tpu.memory_space<hbm>> -> memref<128x32xf32, #tpu.memory_space<hbm>>
      tpu.enqueue_dma source(%arg6 : memref<128x32xf32, #tpu.memory_space<vmem>>) target(%dma_start3A_36 : memref<128x32xf32, #tpu.memory_space<hbm>>) target_semaphore(%run_scoped3A : memref<!tpu.dma_semaphore, #tpu.memory_space<semaphore_mem>>)
      %dma_wait3A_37 = arith.constant 0 : i32
      %dma_wait3A_38 = tpu.memref_slice %arg4[%add3A_26, %dma_wait3A_37] : memref<16384x32xf32, #tpu.memory_space<hbm>> -> memref<128x32xf32, #tpu.memory_space<hbm>>
      %dma_wait3A_39 = arith.constant 0 : i32
      %dma_wait3A_40 = tpu.memref_slice %arg4[%add3A_26, %dma_wait3A_39] : memref<16384x32xf32, #tpu.memory_space<hbm>> -> memref<128x32xf32, #tpu.memory_space<hbm>>
      tpu.wait_dma2 semaphore(%run_scoped3A : memref<!tpu.dma_semaphore, #tpu.memory_space<semaphore_mem>>) src(%arg6 : memref<128x32xf32, #tpu.memory_space<vmem>>) dst(%dma_wait3A_40 : memref<128x32xf32, #tpu.memory_space<hbm>>)
      tpu.yield
    }) : () -> ()
    return
  }
}

module attributes {stable_mosaic.version = 14 : i64} {
  func.func @_topk_body(%arg0: i32, %arg1: memref<1024x32xf32, #tpu.memory_space<vmem>>, %arg2: memref<448x32xf32, #tpu.memory_space<vmem>>, %arg3: memref<16x1024xf32, #tpu.memory_space<vmem>>, %arg4: memref<16x1024xi32, #tpu.memory_space<vmem>>) attributes {dimension_semantics = [#tpu.dimension_semantics<arbitrary>], iteration_bounds = array<i64: 224>, scalar_prefetch = 0 : i64, scratch_operands = 0 : i64, tpu.core_type = #tpu.core_type<tc>, window_params = [{pipeline_mode = #tpu.pipeline_mode<synchronous>, transform_indices = @transform_0, window_bounds = array<i64: 1024, 32>}, {transform_indices = @transform_1, window_bounds = array<i64: 448, 32>}, {pipeline_mode = #tpu.pipeline_mode<synchronous>, transform_indices = @transform_2, window_bounds = array<i64: 16, 1024>}, {pipeline_mode = #tpu.pipeline_mode<synchronous>, transform_indices = @transform_3, window_bounds = array<i64: 16, 1024>}]} {
    %get3A = arith.constant 0 : index
    %get3A_0 = arith.constant 0 : index
    %get3A_1 = vector.load %arg2[%get3A, %get3A_0] : memref<448x32xf32, #tpu.memory_space<vmem>>, vector<448x32xf32>
    %get3A_2 = arith.constant 0 : index
    %get3A_3 = arith.constant 0 : index
    %get3A_4 = vector.load %arg1[%get3A_2, %get3A_3] : memref<1024x32xf32, #tpu.memory_space<vmem>>, vector<1024x32xf32>
    %dot_general3A = arith.constant dense<0.000000e+00> : vector<448x1024xf32>
    %dot_general3A_5 = tpu.matmul %get3A_1, %get3A_4, %dot_general3A {dimension_numbers = #tpu.dot_dimension_numbers<[1], [1], [0], [0], [0, 0, 1, 0], [], []>, transpose_lhs_hint = false} : vector<448x32xf32>, vector<1024x32xf32>, vector<448x1024xf32> -> vector<448x1024xf32>
    %iota3A = tpu.iota {dimensions = array<i32: 0>} : vector<448x1024xi32>
    %mul3A = arith.constant 448 : i32
    %mul3A_6 = arith.muli %arg0, %mul3A : i32
    %sub3A = arith.constant 100000 : i32
    %sub3A_7 = arith.subi %sub3A, %mul3A_6 : i32
    %ge3A = vector.broadcast %sub3A_7 : i32 to vector<448x1024xi32>
    %ge3A_8 = arith.cmpi sge, %iota3A, %ge3A : vector<448x1024xi32>
    %jit3A = arith.constant 0xFF800000 : f32
    %broadcast_in_dim3A = vector.broadcast %jit3A : f32 to vector<448x1024xf32>
    %select_n3A = arith.select %ge3A_8, %broadcast_in_dim3A, %dot_general3A_5 : vector<448x1024xi1>, vector<448x1024xf32>
    %eq3A = arith.constant 0 : i32
    %eq3A_9 = arith.cmpi eq, %arg0, %eq3A : i32
    %convert_element_type3A = arith.extui %eq3A_9 : i1 to i32
    %cond3A = arith.constant 0 : i32
    %cond3A_10 = arith.cmpi ne, %convert_element_type3A, %cond3A : i32
    scf.if %cond3A_10 {
      %reduce_max3A = arith.constant dense<0xFF800000> : vector<1024xf32>
      %reduce_max3A_15 = vector.multi_reduction <maximumf>, %select_n3A, %reduce_max3A [0] : vector<448x1024xf32> to vector<1024xf32>
      %broadcast_in_dim3A_16 = vector.shape_cast %reduce_max3A_15 : vector<1024xf32> to vector<1x1024xf32>
      %eq3A_17 = vector.broadcast %broadcast_in_dim3A_16 : vector<1x1024xf32> to vector<448x1024xf32>
      %eq3A_18 = arith.cmpf oeq, %select_n3A, %eq3A_17 : vector<448x1024xf32>
      %jit3A_19 = arith.constant 2147483647 : i32
      %broadcast_in_dim3A_20 = vector.broadcast %jit3A_19 : i32 to vector<448x1024xi32>
      %select_n3A_21 = arith.select %eq3A_18, %iota3A, %broadcast_in_dim3A_20 : vector<448x1024xi1>, vector<448x1024xi32>
      %reduce_min3A = arith.constant dense<2147483647> : vector<1024xi32>
      %reduce_min3A_22 = vector.multi_reduction <minsi>, %select_n3A_21, %reduce_min3A [0] : vector<448x1024xi32> to vector<1024xi32>
      %broadcast_in_dim3A_23 = vector.shape_cast %reduce_min3A_22 : vector<1024xi32> to vector<1x1024xi32>
      %eq3A_24 = vector.broadcast %broadcast_in_dim3A_23 : vector<1x1024xi32> to vector<448x1024xi32>
      %eq3A_25 = arith.cmpi eq, %iota3A, %eq3A_24 : vector<448x1024xi32>
      %jit3A_26 = arith.constant 0xFF800000 : f32
      %broadcast_in_dim3A_27 = vector.broadcast %jit3A_26 : f32 to vector<448x1024xf32>
      %select_n3A_28 = arith.select %eq3A_25, %broadcast_in_dim3A_27, %select_n3A : vector<448x1024xi1>, vector<448x1024xf32>
      %reduce_max3A_29 = arith.constant dense<0xFF800000> : vector<1024xf32>
      %reduce_max3A_30 = vector.multi_reduction <maximumf>, %select_n3A_28, %reduce_max3A_29 [0] : vector<448x1024xf32> to vector<1024xf32>
      %broadcast_in_dim3A_31 = vector.shape_cast %reduce_max3A_30 : vector<1024xf32> to vector<1x1024xf32>
      %eq3A_32 = vector.broadcast %broadcast_in_dim3A_31 : vector<1x1024xf32> to vector<448x1024xf32>
      %eq3A_33 = arith.cmpf oeq, %select_n3A_28, %eq3A_32 : vector<448x1024xf32>
      %jit3A_34 = arith.constant 2147483647 : i32
      %broadcast_in_dim3A_35 = vector.broadcast %jit3A_34 : i32 to vector<448x1024xi32>
      %select_n3A_36 = arith.select %eq3A_33, %iota3A, %broadcast_in_dim3A_35 : vector<448x1024xi1>, vector<448x1024xi32>
      %reduce_min3A_37 = arith.constant dense<2147483647> : vector<1024xi32>
      %reduce_min3A_38 = vector.multi_reduction <minsi>, %select_n3A_36, %reduce_min3A_37 [0] : vector<448x1024xi32> to vector<1024xi32>
      %broadcast_in_dim3A_39 = vector.shape_cast %reduce_min3A_38 : vector<1024xi32> to vector<1x1024xi32>
      %eq3A_40 = vector.broadcast %broadcast_in_dim3A_39 : vector<1x1024xi32> to vector<448x1024xi32>
      %eq3A_41 = arith.cmpi eq, %iota3A, %eq3A_40 : vector<448x1024xi32>
      %jit3A_42 = arith.constant 0xFF800000 : f32
      %broadcast_in_dim3A_43 = vector.broadcast %jit3A_42 : f32 to vector<448x1024xf32>
      %select_n3A_44 = arith.select %eq3A_41, %broadcast_in_dim3A_43, %select_n3A_28 : vector<448x1024xi1>, vector<448x1024xf32>
      %reduce_max3A_45 = arith.constant dense<0xFF800000> : vector<1024xf32>
      %reduce_max3A_46 = vector.multi_reduction <maximumf>, %select_n3A_44, %reduce_max3A_45 [0] : vector<448x1024xf32> to vector<1024xf32>
      %broadcast_in_dim3A_47 = vector.shape_cast %reduce_max3A_46 : vector<1024xf32> to vector<1x1024xf32>
      %eq3A_48 = vector.broadcast %broadcast_in_dim3A_47 : vector<1x1024xf32> to vector<448x1024xf32>
      %eq3A_49 = arith.cmpf oeq, %select_n3A_44, %eq3A_48 : vector<448x1024xf32>
      %jit3A_50 = arith.constant 2147483647 : i32
      %broadcast_in_dim3A_51 = vector.broadcast %jit3A_50 : i32 to vector<448x1024xi32>
      %select_n3A_52 = arith.select %eq3A_49, %iota3A, %broadcast_in_dim3A_51 : vector<448x1024xi1>, vector<448x1024xi32>
      %reduce_min3A_53 = arith.constant dense<2147483647> : vector<1024xi32>
      %reduce_min3A_54 = vector.multi_reduction <minsi>, %select_n3A_52, %reduce_min3A_53 [0] : vector<448x1024xi32> to vector<1024xi32>
      %broadcast_in_dim3A_55 = vector.shape_cast %reduce_min3A_54 : vector<1024xi32> to vector<1x1024xi32>
      %eq3A_56 = vector.broadcast %broadcast_in_dim3A_55 : vector<1x1024xi32> to vector<448x1024xi32>
      %eq3A_57 = arith.cmpi eq, %iota3A, %eq3A_56 : vector<448x1024xi32>
      %jit3A_58 = arith.constant 0xFF800000 : f32
      %broadcast_in_dim3A_59 = vector.broadcast %jit3A_58 : f32 to vector<448x1024xf32>
      %select_n3A_60 = arith.select %eq3A_57, %broadcast_in_dim3A_59, %select_n3A_44 : vector<448x1024xi1>, vector<448x1024xf32>
      %reduce_max3A_61 = arith.constant dense<0xFF800000> : vector<1024xf32>
      %reduce_max3A_62 = vector.multi_reduction <maximumf>, %select_n3A_60, %reduce_max3A_61 [0] : vector<448x1024xf32> to vector<1024xf32>
      %broadcast_in_dim3A_63 = vector.shape_cast %reduce_max3A_62 : vector<1024xf32> to vector<1x1024xf32>
      %eq3A_64 = vector.broadcast %broadcast_in_dim3A_63 : vector<1x1024xf32> to vector<448x1024xf32>
      %eq3A_65 = arith.cmpf oeq, %select_n3A_60, %eq3A_64 : vector<448x1024xf32>
      %jit3A_66 = arith.constant 2147483647 : i32
      %broadcast_in_dim3A_67 = vector.broadcast %jit3A_66 : i32 to vector<448x1024xi32>
      %select_n3A_68 = arith.select %eq3A_65, %iota3A, %broadcast_in_dim3A_67 : vector<448x1024xi1>, vector<448x1024xi32>
      %reduce_min3A_69 = arith.constant dense<2147483647> : vector<1024xi32>
      %reduce_min3A_70 = vector.multi_reduction <minsi>, %select_n3A_68, %reduce_min3A_69 [0] : vector<448x1024xi32> to vector<1024xi32>
      %broadcast_in_dim3A_71 = vector.shape_cast %reduce_min3A_70 : vector<1024xi32> to vector<1x1024xi32>
      %eq3A_72 = vector.broadcast %broadcast_in_dim3A_71 : vector<1x1024xi32> to vector<448x1024xi32>
      %eq3A_73 = arith.cmpi eq, %iota3A, %eq3A_72 : vector<448x1024xi32>
      %jit3A_74 = arith.constant 0xFF800000 : f32
      %broadcast_in_dim3A_75 = vector.broadcast %jit3A_74 : f32 to vector<448x1024xf32>
      %select_n3A_76 = arith.select %eq3A_73, %broadcast_in_dim3A_75, %select_n3A_60 : vector<448x1024xi1>, vector<448x1024xf32>
      %reduce_max3A_77 = arith.constant dense<0xFF800000> : vector<1024xf32>
      %reduce_max3A_78 = vector.multi_reduction <maximumf>, %select_n3A_76, %reduce_max3A_77 [0] : vector<448x1024xf32> to vector<1024xf32>
      %broadcast_in_dim3A_79 = vector.shape_cast %reduce_max3A_78 : vector<1024xf32> to vector<1x1024xf32>
      %eq3A_80 = vector.broadcast %broadcast_in_dim3A_79 : vector<1x1024xf32> to vector<448x1024xf32>
      %eq3A_81 = arith.cmpf oeq, %select_n3A_76, %eq3A_80 : vector<448x1024xf32>
      %jit3A_82 = arith.constant 2147483647 : i32
      %broadcast_in_dim3A_83 = vector.broadcast %jit3A_82 : i32 to vector<448x1024xi32>
      %select_n3A_84 = arith.select %eq3A_81, %iota3A, %broadcast_in_dim3A_83 : vector<448x1024xi1>, vector<448x1024xi32>
      %reduce_min3A_85 = arith.constant dense<2147483647> : vector<1024xi32>
      %reduce_min3A_86 = vector.multi_reduction <minsi>, %select_n3A_84, %reduce_min3A_85 [0] : vector<448x1024xi32> to vector<1024xi32>
      %broadcast_in_dim3A_87 = vector.shape_cast %reduce_min3A_86 : vector<1024xi32> to vector<1x1024xi32>
      %eq3A_88 = vector.broadcast %broadcast_in_dim3A_87 : vector<1x1024xi32> to vector<448x1024xi32>
      %eq3A_89 = arith.cmpi eq, %iota3A, %eq3A_88 : vector<448x1024xi32>
      %jit3A_90 = arith.constant 0xFF800000 : f32
      %broadcast_in_dim3A_91 = vector.broadcast %jit3A_90 : f32 to vector<448x1024xf32>
      %select_n3A_92 = arith.select %eq3A_89, %broadcast_in_dim3A_91, %select_n3A_76 : vector<448x1024xi1>, vector<448x1024xf32>
      %reduce_max3A_93 = arith.constant dense<0xFF800000> : vector<1024xf32>
      %reduce_max3A_94 = vector.multi_reduction <maximumf>, %select_n3A_92, %reduce_max3A_93 [0] : vector<448x1024xf32> to vector<1024xf32>
      %broadcast_in_dim3A_95 = vector.shape_cast %reduce_max3A_94 : vector<1024xf32> to vector<1x1024xf32>
      %eq3A_96 = vector.broadcast %broadcast_in_dim3A_95 : vector<1x1024xf32> to vector<448x1024xf32>
      %eq3A_97 = arith.cmpf oeq, %select_n3A_92, %eq3A_96 : vector<448x1024xf32>
      %jit3A_98 = arith.constant 2147483647 : i32
      %broadcast_in_dim3A_99 = vector.broadcast %jit3A_98 : i32 to vector<448x1024xi32>
      %select_n3A_100 = arith.select %eq3A_97, %iota3A, %broadcast_in_dim3A_99 : vector<448x1024xi1>, vector<448x1024xi32>
      %reduce_min3A_101 = arith.constant dense<2147483647> : vector<1024xi32>
      %reduce_min3A_102 = vector.multi_reduction <minsi>, %select_n3A_100, %reduce_min3A_101 [0] : vector<448x1024xi32> to vector<1024xi32>
      %broadcast_in_dim3A_103 = vector.shape_cast %reduce_min3A_102 : vector<1024xi32> to vector<1x1024xi32>
      %eq3A_104 = vector.broadcast %broadcast_in_dim3A_103 : vector<1x1024xi32> to vector<448x1024xi32>
      %eq3A_105 = arith.cmpi eq, %iota3A, %eq3A_104 : vector<448x1024xi32>
      %jit3A_106 = arith.constant 0xFF800000 : f32
      %broadcast_in_dim3A_107 = vector.broadcast %jit3A_106 : f32 to vector<448x1024xf32>
      %select_n3A_108 = arith.select %eq3A_105, %broadcast_in_dim3A_107, %select_n3A_92 : vector<448x1024xi1>, vector<448x1024xf32>
      %reduce_max3A_109 = arith.constant dense<0xFF800000> : vector<1024xf32>
      %reduce_max3A_110 = vector.multi_reduction <maximumf>, %select_n3A_108, %reduce_max3A_109 [0] : vector<448x1024xf32> to vector<1024xf32>
      %broadcast_in_dim3A_111 = vector.shape_cast %reduce_max3A_110 : vector<1024xf32> to vector<1x1024xf32>
      %eq3A_112 = vector.broadcast %broadcast_in_dim3A_111 : vector<1x1024xf32> to vector<448x1024xf32>
      %eq3A_113 = arith.cmpf oeq, %select_n3A_108, %eq3A_112 : vector<448x1024xf32>
      %jit3A_114 = arith.constant 2147483647 : i32
      %broadcast_in_dim3A_115 = vector.broadcast %jit3A_114 : i32 to vector<448x1024xi32>
      %select_n3A_116 = arith.select %eq3A_113, %iota3A, %broadcast_in_dim3A_115 : vector<448x1024xi1>, vector<448x1024xi32>
      %reduce_min3A_117 = arith.constant dense<2147483647> : vector<1024xi32>
      %reduce_min3A_118 = vector.multi_reduction <minsi>, %select_n3A_116, %reduce_min3A_117 [0] : vector<448x1024xi32> to vector<1024xi32>
      %broadcast_in_dim3A_119 = vector.shape_cast %reduce_min3A_118 : vector<1024xi32> to vector<1x1024xi32>
      %eq3A_120 = vector.broadcast %broadcast_in_dim3A_119 : vector<1x1024xi32> to vector<448x1024xi32>
      %eq3A_121 = arith.cmpi eq, %iota3A, %eq3A_120 : vector<448x1024xi32>
      %jit3A_122 = arith.constant 0xFF800000 : f32
      %broadcast_in_dim3A_123 = vector.broadcast %jit3A_122 : f32 to vector<448x1024xf32>
      %select_n3A_124 = arith.select %eq3A_121, %broadcast_in_dim3A_123, %select_n3A_108 : vector<448x1024xi1>, vector<448x1024xf32>
      %reduce_max3A_125 = arith.constant dense<0xFF800000> : vector<1024xf32>
      %reduce_max3A_126 = vector.multi_reduction <maximumf>, %select_n3A_124, %reduce_max3A_125 [0] : vector<448x1024xf32> to vector<1024xf32>
      %broadcast_in_dim3A_127 = vector.shape_cast %reduce_max3A_126 : vector<1024xf32> to vector<1x1024xf32>
      %eq3A_128 = vector.broadcast %broadcast_in_dim3A_127 : vector<1x1024xf32> to vector<448x1024xf32>
      %eq3A_129 = arith.cmpf oeq, %select_n3A_124, %eq3A_128 : vector<448x1024xf32>
      %jit3A_130 = arith.constant 2147483647 : i32
      %broadcast_in_dim3A_131 = vector.broadcast %jit3A_130 : i32 to vector<448x1024xi32>
      %select_n3A_132 = arith.select %eq3A_129, %iota3A, %broadcast_in_dim3A_131 : vector<448x1024xi1>, vector<448x1024xi32>
      %reduce_min3A_133 = arith.constant dense<2147483647> : vector<1024xi32>
      %reduce_min3A_134 = vector.multi_reduction <minsi>, %select_n3A_132, %reduce_min3A_133 [0] : vector<448x1024xi32> to vector<1024xi32>
      %broadcast_in_dim3A_135 = vector.shape_cast %reduce_min3A_134 : vector<1024xi32> to vector<1x1024xi32>
      %eq3A_136 = vector.broadcast %broadcast_in_dim3A_135 : vector<1x1024xi32> to vector<448x1024xi32>
      %eq3A_137 = arith.cmpi eq, %iota3A, %eq3A_136 : vector<448x1024xi32>
      %jit3A_138 = arith.constant 0xFF800000 : f32
      %broadcast_in_dim3A_139 = vector.broadcast %jit3A_138 : f32 to vector<448x1024xf32>
      %select_n3A_140 = arith.select %eq3A_137, %broadcast_in_dim3A_139, %select_n3A_124 : vector<448x1024xi1>, vector<448x1024xf32>
      %reduce_max3A_141 = arith.constant dense<0xFF800000> : vector<1024xf32>
      %reduce_max3A_142 = vector.multi_reduction <maximumf>, %select_n3A_140, %reduce_max3A_141 [0] : vector<448x1024xf32> to vector<1024xf32>
      %broadcast_in_dim3A_143 = vector.shape_cast %reduce_max3A_142 : vector<1024xf32> to vector<1x1024xf32>
      %eq3A_144 = vector.broadcast %broadcast_in_dim3A_143 : vector<1x1024xf32> to vector<448x1024xf32>
      %eq3A_145 = arith.cmpf oeq, %select_n3A_140, %eq3A_144 : vector<448x1024xf32>
      %jit3A_146 = arith.constant 2147483647 : i32
      %broadcast_in_dim3A_147 = vector.broadcast %jit3A_146 : i32 to vector<448x1024xi32>
      %select_n3A_148 = arith.select %eq3A_145, %iota3A, %broadcast_in_dim3A_147 : vector<448x1024xi1>, vector<448x1024xi32>
      %reduce_min3A_149 = arith.constant dense<2147483647> : vector<1024xi32>
      %reduce_min3A_150 = vector.multi_reduction <minsi>, %select_n3A_148, %reduce_min3A_149 [0] : vector<448x1024xi32> to vector<1024xi32>
      %broadcast_in_dim3A_151 = vector.shape_cast %reduce_min3A_150 : vector<1024xi32> to vector<1x1024xi32>
      %eq3A_152 = vector.broadcast %broadcast_in_dim3A_151 : vector<1x1024xi32> to vector<448x1024xi32>
      %eq3A_153 = arith.cmpi eq, %iota3A, %eq3A_152 : vector<448x1024xi32>
      %jit3A_154 = arith.constant 0xFF800000 : f32
      %broadcast_in_dim3A_155 = vector.broadcast %jit3A_154 : f32 to vector<448x1024xf32>
      %select_n3A_156 = arith.select %eq3A_153, %broadcast_in_dim3A_155, %select_n3A_140 : vector<448x1024xi1>, vector<448x1024xf32>
      %reduce_max3A_157 = arith.constant dense<0xFF800000> : vector<1024xf32>
      %reduce_max3A_158 = vector.multi_reduction <maximumf>, %select_n3A_156, %reduce_max3A_157 [0] : vector<448x1024xf32> to vector<1024xf32>
      %broadcast_in_dim3A_159 = vector.shape_cast %reduce_max3A_158 : vector<1024xf32> to vector<1x1024xf32>
      %eq3A_160 = vector.broadcast %broadcast_in_dim3A_159 : vector<1x1024xf32> to vector<448x1024xf32>
      %eq3A_161 = arith.cmpf oeq, %select_n3A_156, %eq3A_160 : vector<448x1024xf32>
      %jit3A_162 = arith.constant 2147483647 : i32
      %broadcast_in_dim3A_163 = vector.broadcast %jit3A_162 : i32 to vector<448x1024xi32>
      %select_n3A_164 = arith.select %eq3A_161, %iota3A, %broadcast_in_dim3A_163 : vector<448x1024xi1>, vector<448x1024xi32>
      %reduce_min3A_165 = arith.constant dense<2147483647> : vector<1024xi32>
      %reduce_min3A_166 = vector.multi_reduction <minsi>, %select_n3A_164, %reduce_min3A_165 [0] : vector<448x1024xi32> to vector<1024xi32>
      %broadcast_in_dim3A_167 = vector.shape_cast %reduce_min3A_166 : vector<1024xi32> to vector<1x1024xi32>
      %eq3A_168 = vector.broadcast %broadcast_in_dim3A_167 : vector<1x1024xi32> to vector<448x1024xi32>
      %eq3A_169 = arith.cmpi eq, %iota3A, %eq3A_168 : vector<448x1024xi32>
      %jit3A_170 = arith.constant 0xFF800000 : f32
      %broadcast_in_dim3A_171 = vector.broadcast %jit3A_170 : f32 to vector<448x1024xf32>
      %select_n3A_172 = arith.select %eq3A_169, %broadcast_in_dim3A_171, %select_n3A_156 : vector<448x1024xi1>, vector<448x1024xf32>
      %reduce_max3A_173 = arith.constant dense<0xFF800000> : vector<1024xf32>
      %reduce_max3A_174 = vector.multi_reduction <maximumf>, %select_n3A_172, %reduce_max3A_173 [0] : vector<448x1024xf32> to vector<1024xf32>
      %broadcast_in_dim3A_175 = vector.shape_cast %reduce_max3A_174 : vector<1024xf32> to vector<1x1024xf32>
      %eq3A_176 = vector.broadcast %broadcast_in_dim3A_175 : vector<1x1024xf32> to vector<448x1024xf32>
      %eq3A_177 = arith.cmpf oeq, %select_n3A_172, %eq3A_176 : vector<448x1024xf32>
      %jit3A_178 = arith.constant 2147483647 : i32
      %broadcast_in_dim3A_179 = vector.broadcast %jit3A_178 : i32 to vector<448x1024xi32>
      %select_n3A_180 = arith.select %eq3A_177, %iota3A, %broadcast_in_dim3A_179 : vector<448x1024xi1>, vector<448x1024xi32>
      %reduce_min3A_181 = arith.constant dense<2147483647> : vector<1024xi32>
      %reduce_min3A_182 = vector.multi_reduction <minsi>, %select_n3A_180, %reduce_min3A_181 [0] : vector<448x1024xi32> to vector<1024xi32>
      %broadcast_in_dim3A_183 = vector.shape_cast %reduce_min3A_182 : vector<1024xi32> to vector<1x1024xi32>
      %eq3A_184 = vector.broadcast %broadcast_in_dim3A_183 : vector<1x1024xi32> to vector<448x1024xi32>
      %eq3A_185 = arith.cmpi eq, %iota3A, %eq3A_184 : vector<448x1024xi32>
      %jit3A_186 = arith.constant 0xFF800000 : f32
      %broadcast_in_dim3A_187 = vector.broadcast %jit3A_186 : f32 to vector<448x1024xf32>
      %select_n3A_188 = arith.select %eq3A_185, %broadcast_in_dim3A_187, %select_n3A_172 : vector<448x1024xi1>, vector<448x1024xf32>
      %reduce_max3A_189 = arith.constant dense<0xFF800000> : vector<1024xf32>
      %reduce_max3A_190 = vector.multi_reduction <maximumf>, %select_n3A_188, %reduce_max3A_189 [0] : vector<448x1024xf32> to vector<1024xf32>
      %broadcast_in_dim3A_191 = vector.shape_cast %reduce_max3A_190 : vector<1024xf32> to vector<1x1024xf32>
      %eq3A_192 = vector.broadcast %broadcast_in_dim3A_191 : vector<1x1024xf32> to vector<448x1024xf32>
      %eq3A_193 = arith.cmpf oeq, %select_n3A_188, %eq3A_192 : vector<448x1024xf32>
      %jit3A_194 = arith.constant 2147483647 : i32
      %broadcast_in_dim3A_195 = vector.broadcast %jit3A_194 : i32 to vector<448x1024xi32>
      %select_n3A_196 = arith.select %eq3A_193, %iota3A, %broadcast_in_dim3A_195 : vector<448x1024xi1>, vector<448x1024xi32>
      %reduce_min3A_197 = arith.constant dense<2147483647> : vector<1024xi32>
      %reduce_min3A_198 = vector.multi_reduction <minsi>, %select_n3A_196, %reduce_min3A_197 [0] : vector<448x1024xi32> to vector<1024xi32>
      %broadcast_in_dim3A_199 = vector.shape_cast %reduce_min3A_198 : vector<1024xi32> to vector<1x1024xi32>
      %eq3A_200 = vector.broadcast %broadcast_in_dim3A_199 : vector<1x1024xi32> to vector<448x1024xi32>
      %eq3A_201 = arith.cmpi eq, %iota3A, %eq3A_200 : vector<448x1024xi32>
      %jit3A_202 = arith.constant 0xFF800000 : f32
      %broadcast_in_dim3A_203 = vector.broadcast %jit3A_202 : f32 to vector<448x1024xf32>
      %select_n3A_204 = arith.select %eq3A_201, %broadcast_in_dim3A_203, %select_n3A_188 : vector<448x1024xi1>, vector<448x1024xf32>
      %reduce_max3A_205 = arith.constant dense<0xFF800000> : vector<1024xf32>
      %reduce_max3A_206 = vector.multi_reduction <maximumf>, %select_n3A_204, %reduce_max3A_205 [0] : vector<448x1024xf32> to vector<1024xf32>
      %broadcast_in_dim3A_207 = vector.shape_cast %reduce_max3A_206 : vector<1024xf32> to vector<1x1024xf32>
      %eq3A_208 = vector.broadcast %broadcast_in_dim3A_207 : vector<1x1024xf32> to vector<448x1024xf32>
      %eq3A_209 = arith.cmpf oeq, %select_n3A_204, %eq3A_208 : vector<448x1024xf32>
      %jit3A_210 = arith.constant 2147483647 : i32
      %broadcast_in_dim3A_211 = vector.broadcast %jit3A_210 : i32 to vector<448x1024xi32>
      %select_n3A_212 = arith.select %eq3A_209, %iota3A, %broadcast_in_dim3A_211 : vector<448x1024xi1>, vector<448x1024xi32>
      %reduce_min3A_213 = arith.constant dense<2147483647> : vector<1024xi32>
      %reduce_min3A_214 = vector.multi_reduction <minsi>, %select_n3A_212, %reduce_min3A_213 [0] : vector<448x1024xi32> to vector<1024xi32>
      %broadcast_in_dim3A_215 = vector.shape_cast %reduce_min3A_214 : vector<1024xi32> to vector<1x1024xi32>
      %eq3A_216 = vector.broadcast %broadcast_in_dim3A_215 : vector<1x1024xi32> to vector<448x1024xi32>
      %eq3A_217 = arith.cmpi eq, %iota3A, %eq3A_216 : vector<448x1024xi32>
      %jit3A_218 = arith.constant 0xFF800000 : f32
      %broadcast_in_dim3A_219 = vector.broadcast %jit3A_218 : f32 to vector<448x1024xf32>
      %select_n3A_220 = arith.select %eq3A_217, %broadcast_in_dim3A_219, %select_n3A_204 : vector<448x1024xi1>, vector<448x1024xf32>
      %reduce_max3A_221 = arith.constant dense<0xFF800000> : vector<1024xf32>
      %reduce_max3A_222 = vector.multi_reduction <maximumf>, %select_n3A_220, %reduce_max3A_221 [0] : vector<448x1024xf32> to vector<1024xf32>
      %broadcast_in_dim3A_223 = vector.shape_cast %reduce_max3A_222 : vector<1024xf32> to vector<1x1024xf32>
      %eq3A_224 = vector.broadcast %broadcast_in_dim3A_223 : vector<1x1024xf32> to vector<448x1024xf32>
      %eq3A_225 = arith.cmpf oeq, %select_n3A_220, %eq3A_224 : vector<448x1024xf32>
      %jit3A_226 = arith.constant 2147483647 : i32
      %broadcast_in_dim3A_227 = vector.broadcast %jit3A_226 : i32 to vector<448x1024xi32>
      %select_n3A_228 = arith.select %eq3A_225, %iota3A, %broadcast_in_dim3A_227 : vector<448x1024xi1>, vector<448x1024xi32>
      %reduce_min3A_229 = arith.constant dense<2147483647> : vector<1024xi32>
      %reduce_min3A_230 = vector.multi_reduction <minsi>, %select_n3A_228, %reduce_min3A_229 [0] : vector<448x1024xi32> to vector<1024xi32>
      %broadcast_in_dim3A_231 = vector.shape_cast %reduce_min3A_230 : vector<1024xi32> to vector<1x1024xi32>
      %eq3A_232 = vector.broadcast %broadcast_in_dim3A_231 : vector<1x1024xi32> to vector<448x1024xi32>
      %eq3A_233 = arith.cmpi eq, %iota3A, %eq3A_232 : vector<448x1024xi32>
      %jit3A_234 = arith.constant 0xFF800000 : f32
      %broadcast_in_dim3A_235 = vector.broadcast %jit3A_234 : f32 to vector<448x1024xf32>
      %select_n3A_236 = arith.select %eq3A_233, %broadcast_in_dim3A_235, %select_n3A_220 : vector<448x1024xi1>, vector<448x1024xf32>
      %reduce_max3A_237 = arith.constant dense<0xFF800000> : vector<1024xf32>
      %reduce_max3A_238 = vector.multi_reduction <maximumf>, %select_n3A_236, %reduce_max3A_237 [0] : vector<448x1024xf32> to vector<1024xf32>
      %broadcast_in_dim3A_239 = vector.shape_cast %reduce_max3A_238 : vector<1024xf32> to vector<1x1024xf32>
      %eq3A_240 = vector.broadcast %broadcast_in_dim3A_239 : vector<1x1024xf32> to vector<448x1024xf32>
      %eq3A_241 = arith.cmpf oeq, %select_n3A_236, %eq3A_240 : vector<448x1024xf32>
      %jit3A_242 = arith.constant 2147483647 : i32
      %broadcast_in_dim3A_243 = vector.broadcast %jit3A_242 : i32 to vector<448x1024xi32>
      %select_n3A_244 = arith.select %eq3A_241, %iota3A, %broadcast_in_dim3A_243 : vector<448x1024xi1>, vector<448x1024xi32>
      %reduce_min3A_245 = arith.constant dense<2147483647> : vector<1024xi32>
      %reduce_min3A_246 = vector.multi_reduction <minsi>, %select_n3A_244, %reduce_min3A_245 [0] : vector<448x1024xi32> to vector<1024xi32>
      %broadcast_in_dim3A_247 = vector.shape_cast %reduce_min3A_246 : vector<1024xi32> to vector<1x1024xi32>
      %eq3A_248 = vector.broadcast %broadcast_in_dim3A_247 : vector<1x1024xi32> to vector<448x1024xi32>
      %eq3A_249 = arith.cmpi eq, %iota3A, %eq3A_248 : vector<448x1024xi32>
      %jit3A_250 = arith.constant 0xFF800000 : f32
      %broadcast_in_dim3A_251 = vector.broadcast %jit3A_250 : f32 to vector<448x1024xf32>
      %select_n3A_252 = arith.select %eq3A_249, %broadcast_in_dim3A_251, %select_n3A_236 : vector<448x1024xi1>, vector<448x1024xf32>
      %reduce_max3A_253 = arith.constant dense<0xFF800000> : vector<1024xf32>
      %reduce_max3A_254 = vector.multi_reduction <maximumf>, %select_n3A_252, %reduce_max3A_253 [0] : vector<448x1024xf32> to vector<1024xf32>
      %broadcast_in_dim3A_255 = vector.shape_cast %reduce_max3A_254 : vector<1024xf32> to vector<1x1024xf32>
      %eq3A_256 = vector.broadcast %broadcast_in_dim3A_255 : vector<1x1024xf32> to vector<448x1024xf32>
      %eq3A_257 = arith.cmpf oeq, %select_n3A_252, %eq3A_256 : vector<448x1024xf32>
      %jit3A_258 = arith.constant 2147483647 : i32
      %broadcast_in_dim3A_259 = vector.broadcast %jit3A_258 : i32 to vector<448x1024xi32>
      %select_n3A_260 = arith.select %eq3A_257, %iota3A, %broadcast_in_dim3A_259 : vector<448x1024xi1>, vector<448x1024xi32>
      %reduce_min3A_261 = arith.constant dense<2147483647> : vector<1024xi32>
      %reduce_min3A_262 = vector.multi_reduction <minsi>, %select_n3A_260, %reduce_min3A_261 [0] : vector<448x1024xi32> to vector<1024xi32>
      %broadcast_in_dim3A_263 = vector.shape_cast %reduce_min3A_262 : vector<1024xi32> to vector<1x1024xi32>
      %concatenate3A = tpu.concatenate %broadcast_in_dim3A_16, %broadcast_in_dim3A_31, %broadcast_in_dim3A_47, %broadcast_in_dim3A_63, %broadcast_in_dim3A_79, %broadcast_in_dim3A_95, %broadcast_in_dim3A_111, %broadcast_in_dim3A_127, %broadcast_in_dim3A_143, %broadcast_in_dim3A_159, %broadcast_in_dim3A_175, %broadcast_in_dim3A_191, %broadcast_in_dim3A_207, %broadcast_in_dim3A_223, %broadcast_in_dim3A_239, %broadcast_in_dim3A_255 in 0 : vector<1x1024xf32>, vector<1x1024xf32>, vector<1x1024xf32>, vector<1x1024xf32>, vector<1x1024xf32>, vector<1x1024xf32>, vector<1x1024xf32>, vector<1x1024xf32>, vector<1x1024xf32>, vector<1x1024xf32>, vector<1x1024xf32>, vector<1x1024xf32>, vector<1x1024xf32>, vector<1x1024xf32>, vector<1x1024xf32>, vector<1x1024xf32> -> vector<16x1024xf32>
      %swap3A = arith.constant 0 : index
      %swap3A_264 = arith.constant 0 : index
      %swap3A_265 = vector.load %arg3[%swap3A, %swap3A_264] : memref<16x1024xf32, #tpu.memory_space<vmem>>, vector<16x1024xf32>
      tpu.vector_store %arg3[%swap3A, %swap3A_264], %concatenate3A {strides = array<i32>} : memref<16x1024xf32, #tpu.memory_space<vmem>>, vector<16x1024xf32>,
      %concatenate3A_266 = tpu.concatenate %broadcast_in_dim3A_23, %broadcast_in_dim3A_39, %broadcast_in_dim3A_55, %broadcast_in_dim3A_71, %broadcast_in_dim3A_87, %broadcast_in_dim3A_103, %broadcast_in_dim3A_119, %broadcast_in_dim3A_135, %broadcast_in_dim3A_151, %broadcast_in_dim3A_167, %broadcast_in_dim3A_183, %broadcast_in_dim3A_199, %broadcast_in_dim3A_215, %broadcast_in_dim3A_231, %broadcast_in_dim3A_247, %broadcast_in_dim3A_263 in 0 : vector<1x1024xi32>, vector<1x1024xi32>, vector<1x1024xi32>, vector<1x1024xi32>, vector<1x1024xi32>, vector<1x1024xi32>, vector<1x1024xi32>, vector<1x1024xi32>, vector<1x1024xi32>, vector<1x1024xi32>, vector<1x1024xi32>, vector<1x1024xi32>, vector<1x1024xi32>, vector<1x1024xi32>, vector<1x1024xi32>, vector<1x1024xi32> -> vector<16x1024xi32>
      %swap3A_267 = arith.constant 0 : index
      %swap3A_268 = arith.constant 0 : index
      %swap3A_269 = vector.load %arg4[%swap3A_267, %swap3A_268] : memref<16x1024xi32, #tpu.memory_space<vmem>>, vector<16x1024xi32>
      tpu.vector_store %arg4[%swap3A_267, %swap3A_268], %concatenate3A_266 {strides = array<i32>} : memref<16x1024xi32, #tpu.memory_space<vmem>>, vector<16x1024xi32>,
    } else {
    }
    %gt3A = arith.constant 0 : i32
    %gt3A_11 = arith.cmpi sgt, %arg0, %gt3A : i32
    %convert_element_type3A_12 = arith.extui %gt3A_11 : i1 to i32
    %cond3A_13 = arith.constant 0 : i32
    %cond3A_14 = arith.cmpi ne, %convert_element_type3A_12, %cond3A_13 : i32
    scf.if %cond3A_14 {
      %get3A_15 = arith.constant 0 : index
      %get3A_16 = arith.constant 0 : index
      %get3A_17 = vector.load %arg3[%get3A_15, %get3A_16] : memref<16x1024xf32, #tpu.memory_space<vmem>>, vector<16x1024xf32>
      %get3A_18 = arith.constant 0 : index
      %get3A_19 = arith.constant 0 : index
      %get3A_20 = vector.load %arg4[%get3A_18, %get3A_19] : memref<16x1024xi32, #tpu.memory_space<vmem>>, vector<16x1024xi32>
      %reduce_max3A = arith.constant dense<0xFF800000> : vector<1024xf32>
      %reduce_max3A_21 = vector.multi_reduction <maximumf>, %select_n3A, %reduce_max3A [0] : vector<448x1024xf32> to vector<1024xf32>
      %broadcast_in_dim3A_22 = vector.shape_cast %reduce_max3A_21 : vector<1024xf32> to vector<1x1024xf32>
      %while3A:4 = scf.while (%while3A_28 = %select_n3A, %while3A_29 = %get3A_17, %while3A_30 = %get3A_20, %while3A_31 = %broadcast_in_dim3A_22) : (vector<448x1024xf32>, vector<16x1024xf32>, vector<16x1024xi32>, vector<1x1024xf32>) -> (vector<448x1024xf32>, vector<16x1024xf32>, vector<16x1024xi32>, vector<1x1024xf32>) {
        %slice3A = vector.extract_strided_slice %while3A_29 {offsets = [15, 0], sizes = [1, 1024], strides = [1, 1]} : vector<16x1024xf32> to vector<1x1024xf32>
        %gt3A_32 = arith.cmpf ogt, %while3A_31, %slice3A : vector<1x1024xf32>
        %reduce_or3A = arith.constant 1.000000e+00 : f32
        %reduce_or3A_33 = arith.constant 0.000000e+00 : f32
        %reduce_or3A_34 = vector.broadcast %reduce_or3A : f32 to vector<1x1024xf32>
        %reduce_or3A_35 = vector.broadcast %reduce_or3A_33 : f32 to vector<1x1024xf32>
        %reduce_or3A_36 = arith.select %gt3A_32, %reduce_or3A_34, %reduce_or3A_35 : vector<1x1024xi1>, vector<1x1024xf32>
        %reduce_or3A_37 = vector.shape_cast %reduce_or3A_36 : vector<1x1024xf32> to vector<1x1x1024xf32>
        %reduce_or3A_38 = arith.constant dense<0xFF800000> : vector<1xf32>
        %reduce_or3A_39 = vector.multi_reduction <maximumf>, %reduce_or3A_37, %reduce_or3A_38 [1, 2] : vector<1x1x1024xf32> to vector<1xf32>
        %reduce_or3A_40 = vector.shape_cast %reduce_or3A_39 : vector<1xf32> to vector<1x1x1xf32>
        %reduce_or3A_41 = vector.extract %reduce_or3A_40[0, 0, 0] : f32 from vector<1x1x1xf32>
        %reduce_or3A_42 = arith.constant 0.000000e+00 : f32
        %reduce_or3A_43 = arith.cmpf ogt, %reduce_or3A_41, %reduce_or3A_42 : f32
        scf.condition(%reduce_or3A_43) %while3A_28, %while3A_29, %while3A_30, %while3A_31 : vector<448x1024xf32>, vector<16x1024xf32>, vector<16x1024xi32>, vector<1x1024xf32>
      } do {
      ^bb0(%while3A_28: vector<448x1024xf32>, %while3A_29: vector<16x1024xf32>, %while3A_30: vector<16x1024xi32>, %while3A_31: vector<1x1024xf32>):
        %eq3A_32 = vector.broadcast %while3A_31 : vector<1x1024xf32> to vector<448x1024xf32>
        %eq3A_33 = arith.cmpf oeq, %while3A_28, %eq3A_32 : vector<448x1024xf32>
        %jit3A_34 = arith.constant 2147483647 : i32
        %broadcast_in_dim3A_35 = vector.broadcast %jit3A_34 : i32 to vector<448x1024xi32>
        %select_n3A_36 = arith.select %eq3A_33, %iota3A, %broadcast_in_dim3A_35 : vector<448x1024xi1>, vector<448x1024xi32>
        %reduce_min3A = arith.constant dense<2147483647> : vector<1024xi32>
        %reduce_min3A_37 = vector.multi_reduction <minsi>, %select_n3A_36, %reduce_min3A [0] : vector<448x1024xi32> to vector<1024xi32>
        %broadcast_in_dim3A_38 = vector.shape_cast %reduce_min3A_37 : vector<1024xi32> to vector<1x1024xi32>
        %mul3A_39 = arith.constant 448 : i32
        %mul3A_40 = arith.muli %arg0, %mul3A_39 : i32
        %add3A = vector.broadcast %mul3A_40 : i32 to vector<1x1024xi32>
        %add3A_41 = arith.addi %broadcast_in_dim3A_38, %add3A : vector<1x1024xi32>
        %gt3A_42 = vector.broadcast %while3A_31 : vector<1x1024xf32> to vector<16x1024xf32>
        %gt3A_43 = arith.cmpf ogt, %while3A_29, %gt3A_42 : vector<16x1024xf32>
        %eq3A_44 = vector.broadcast %while3A_31 : vector<1x1024xf32> to vector<16x1024xf32>
        %eq3A_45 = arith.cmpf oeq, %while3A_29, %eq3A_44 : vector<16x1024xf32>
        %lt3A = vector.broadcast %add3A_41 : vector<1x1024xi32> to vector<16x1024xi32>
        %lt3A_46 = arith.cmpi slt, %while3A_30, %lt3A : vector<16x1024xi32>
        %and3A = arith.andi %eq3A_45, %lt3A_46 : vector<16x1024xi1>
        %or3A = arith.ori %gt3A_43, %and3A : vector<16x1024xi1>
        %broadcast_in_dim3A_47 = arith.constant 1 : i32
        %broadcast_in_dim3A_48 = vector.broadcast %broadcast_in_dim3A_47 : i32 to vector<1x1024xi32>
        %convert_element_type3A_49 = arith.extui %or3A : vector<16x1024xi1> to vector<16x1024xi32>
        %slice3A = vector.extract_strided_slice %convert_element_type3A_49 {offsets = [0, 0], sizes = [15, 1024], strides = [1, 1]} : vector<16x1024xi32> to vector<15x1024xi32>
        %concatenate3A = tpu.concatenate %broadcast_in_dim3A_48, %slice3A in 0 : vector<1x1024xi32>, vector<15x1024xi32> -> vector<16x1024xi32>
        %ne3A = arith.constant 0 : i32
        %ne3A_50 = vector.broadcast %ne3A : i32 to vector<16x1024xi32>
        %ne3A_51 = arith.cmpi ne, %concatenate3A, %ne3A_50 : vector<16x1024xi32>
        %broadcast_in_dim3A_52 = arith.constant 0xFF800000 : f32
        %broadcast_in_dim3A_53 = vector.broadcast %broadcast_in_dim3A_52 : f32 to vector<1x1024xf32>
        %slice3A_54 = vector.extract_strided_slice %while3A_29 {offsets = [0, 0], sizes = [15, 1024], strides = [1, 1]} : vector<16x1024xf32> to vector<15x1024xf32>
        %concatenate3A_55 = tpu.concatenate %broadcast_in_dim3A_53, %slice3A_54 in 0 : vector<1x1024xf32>, vector<15x1024xf32> -> vector<16x1024xf32>
        %broadcast_in_dim3A_56 = arith.constant 2147483647 : i32
        %broadcast_in_dim3A_57 = vector.broadcast %broadcast_in_dim3A_56 : i32 to vector<1x1024xi32>
        %slice3A_58 = vector.extract_strided_slice %while3A_30 {offsets = [0, 0], sizes = [15, 1024], strides = [1, 1]} : vector<16x1024xi32> to vector<15x1024xi32>
        %concatenate3A_59 = tpu.concatenate %broadcast_in_dim3A_57, %slice3A_58 in 0 : vector<1x1024xi32>, vector<15x1024xi32> -> vector<16x1024xi32>
        %broadcast_in_dim3A_60 = vector.shape_cast %while3A_31 : vector<1x1024xf32> to vector<1x1024xf32>
        %broadcast_in_dim3A_61 = vector.broadcast %broadcast_in_dim3A_60 : vector<1x1024xf32> to vector<16x1024xf32>
        %broadcast_in_dim3A_62 = vector.shape_cast %add3A_41 : vector<1x1024xi32> to vector<1x1024xi32>
        %broadcast_in_dim3A_63 = vector.broadcast %broadcast_in_dim3A_62 : vector<1x1024xi32> to vector<16x1024xi32>
        %select_n3A_64 = arith.select %ne3A_51, %broadcast_in_dim3A_61, %concatenate3A_55 : vector<16x1024xi1>, vector<16x1024xf32>
        %select_n3A_65 = arith.select %or3A, %while3A_29, %select_n3A_64 : vector<16x1024xi1>, vector<16x1024xf32>
        %select_n3A_66 = arith.select %ne3A_51, %broadcast_in_dim3A_63, %concatenate3A_59 : vector<16x1024xi1>, vector<16x1024xi32>
        %select_n3A_67 = arith.select %or3A, %while3A_30, %select_n3A_66 : vector<16x1024xi1>, vector<16x1024xi32>
        %eq3A_68 = vector.broadcast %broadcast_in_dim3A_38 : vector<1x1024xi32> to vector<448x1024xi32>
        %eq3A_69 = arith.cmpi eq, %iota3A, %eq3A_68 : vector<448x1024xi32>
        %jit3A_70 = arith.constant 0xFF800000 : f32
        %broadcast_in_dim3A_71 = vector.broadcast %jit3A_70 : f32 to vector<448x1024xf32>
        %select_n3A_72 = arith.select %eq3A_69, %broadcast_in_dim3A_71, %while3A_28 : vector<448x1024xi1>, vector<448x1024xf32>
        %reduce_max3A_73 = arith.constant dense<0xFF800000> : vector<1024xf32>
        %reduce_max3A_74 = vector.multi_reduction <maximumf>, %select_n3A_72, %reduce_max3A_73 [0] : vector<448x1024xf32> to vector<1024xf32>
        %broadcast_in_dim3A_75 = vector.shape_cast %reduce_max3A_74 : vector<1024xf32> to vector<1x1024xf32>
        scf.yield %select_n3A_72, %select_n3A_65, %select_n3A_67, %broadcast_in_dim3A_75 : vector<448x1024xf32>, vector<16x1024xf32>, vector<16x1024xi32>, vector<1x1024xf32>
      }
      %swap3A = arith.constant 0 : index
      %swap3A_23 = arith.constant 0 : index
      %swap3A_24 = vector.load %arg3[%swap3A, %swap3A_23] : memref<16x1024xf32, #tpu.memory_space<vmem>>, vector<16x1024xf32>
      tpu.vector_store %arg3[%swap3A, %swap3A_23], %while3A#1 {strides = array<i32>} : memref<16x1024xf32, #tpu.memory_space<vmem>>, vector<16x1024xf32>,
      %swap3A_25 = arith.constant 0 : index
      %swap3A_26 = arith.constant 0 : index
      %swap3A_27 = vector.load %arg4[%swap3A_25, %swap3A_26] : memref<16x1024xi32, #tpu.memory_space<vmem>>, vector<16x1024xi32>
      tpu.vector_store %arg4[%swap3A_25, %swap3A_26], %while3A#2 {strides = array<i32>} : memref<16x1024xi32, #tpu.memory_space<vmem>>, vector<16x1024xi32>,
    } else {
    }
    return
  }
  func.func @transform_0(%arg0: i32) -> (i32, i32) {
    %c0_i32 = arith.constant 0 : i32
    %c0_i32_0 = arith.constant 0 : i32
    %c0_i32_1 = arith.constant 0 : i32
    return %c0_i32, %c0_i32_0 : i32, i32
  }
  func.func @transform_1(%arg0: i32) -> (i32, i32) {
    %c0_i32 = arith.constant 0 : i32
    %c0_i32_0 = arith.constant 0 : i32
    return %arg0, %c0_i32 : i32, i32
  }
  func.func @transform_2(%arg0: i32) -> (i32, i32) {
    %c0_i32 = arith.constant 0 : i32
    %c0_i32_0 = arith.constant 0 : i32
    %c0_i32_1 = arith.constant 0 : i32
    return %c0_i32, %c0_i32_0 : i32, i32
  }
  func.func @transform_3(%arg0: i32) -> (i32, i32) {
    %c0_i32 = arith.constant 0 : i32
    %c0_i32_0 = arith.constant 0 : i32
    %c0_i32_1 = arith.constant 0 : i32
    return %c0_i32, %c0_i32_0 : i32, i32
  }
}

</mosaic_0001>

<sc_bundles>
// kernel: kernel.4.cloned.1.call-start
scs
__scs_entry_jumppad:
0x0: {  	(pc) =	sbr.rel $0x88, $3  }
0x1: {  	(tag) =	ssettag $0x0;
	lr =	simm.s32 $0x1  }
0x2: {  	[smem:$0x3F9E] =	sst lr;
	_ =	strace $0xD0000000  }
0x3: {  	_ = 	snop  }
0x4: {  	_ = 	snop  }
0x5: {  	_ = 	snop  }
0x6: {  	_ = 	snop  }
0x7: {  	_ = 	snop  }
__scs_overlays_trampoline_lowered:
0x8: {  	[smem:$0x3FAD] =	sst s0  }
0x9: {  	[smem:$0x3FAE] =	sst s1  }
0xa: {  	[smem:$0x3FAF] =	sst s2  }
0xb: {  	[smem:$0x3FB0] =	sst s3  }
0xc: {  	[smem:$0x3FB1] =	sst s4  }
0xd: {  	[smem:$0x3FB2] =	sst s5  }
0xe: {  	[smem:$0x3FB3] =	sst s6  }
0xf: {  	[smem:$0x3FB4] =	sst s7  }
0x10: {  	[smem:$0x3FB5] =	sst s8  }
0x11: {  	[smem:$0x3FB6] =	sst s9;
	s0 =	simm.s32 @!p0 $0x0  }
0x12: {  	s1 =	sld [smem:$0x3F9C];
	s0 =	simm.s32 @p0 $0x1  }
0x13: {  	[smem:$0x3FB7] =	sst s0;
	s0 =	simm.s32 @!p1 $0x0  }
0x14: {  	s2 =	sld [smem:$0x3F9B];
	s0 =	simm.s32 @p1 $0x1  }
0x15: {  	[smem:$0x3FB8] =	sst s0;
	s0 =	simm.s32 @!p2 $0x0  }
0x16: {  	s3 =	sld [smem:$0x3FDB];
	s0 =	simm.s32 @p2 $0x1  }
0x17: {  	s4 =	simm.s32 $0x1BF5;
	[smem:$0x3FBA] =	sst s0  }
0x18: {  	s0 =	sld [smem:$0x3F9D];
	_ =	swait.ge [sflag:s4], $0x0  }
0x19: {  	s7 =	sld [smem:$0x3F9E]  }
0x1a: {  	s8 =	sadd.s32 $0xFFFFE003, lr  }
0x1b: {  	s9 =	sadd.s32 $0xFFFFFEF7, lr;
	s5 =	simm.s32 $0xFFFFFFFF;
	p2 =	slt.u32 s8, $0xFFFFF086  }
0x1c: {  	p1 =	slt.u32 s9, $0xF7A;
	s5 =	simm.s32 @!p2 $0x0  }
0x1d: {  	s5 =	simm.s32 @p1 $0x1;
	p0 =	seq.s32 s7, s2  }
0x1e: {  	s7 =	smul.u32 @!p0 $0xF7A, s2;
	p2 =	seq.s32 @!p0 s5, $0x0  }
0x1f: {  	s9 =	smul.u32 $0xF7A, s1;
	s8 =	simm.s32 @!p0 $0x1BF5;
	p2 =	por !p2, p0  }
0x20: {  	[sflag:s8] =	ssyncset.s32 @!p0 $0xFFFFF086;
	s6 =	sadd.s32 @!p0 s3, s7;
	s7 =	simm.s32 @!p0 $0x108  }
0x21: {  	s3 =	sadd.s32 s3, s9;
	s6 =	sadd.s32 @!p0 $0x88, s6;
	s7 =	simm.s32 @p2 $0x1082  }
0x22: {  	[simem:s7], [sflag:s8] =	dma.local @!p0 [hbm:s6], $0xF7A  }
0x23: {  	s9 =	sor.u32 $0xD0000000, s2;
	s6 =	simm.s32 $0x108;
	_ =	swait.ge @!p0 [sflag:s8], $0x0  }
0x24: {  	s3 =	sadd.s32 $0x88, s3;
	s6 =	simm.s32 @!p1 $0x1082;
	[sflag:s4] =	ssyncset.s32 $0xFFFFF086  }
0x25: {  	[simem:s6], [sflag:s4] =	dma.local [hbm:s3], $0xF7A  }
0x26: {  	[smem:$0x3F9E] =	sst s1;
	(tag) =	ssettag s2;
	_ =	strace s9  }
0x27: {  	s1 =	sld [smem:$0x3FAE]  }
0x28: {  	s2 =	sld [smem:$0x3FAF]  }
0x29: {  	s4 =	sld [smem:$0x3FB1]  }
0x2a: {  	p0 =	seq.s32 s5, $0x0;
	s5 =	sld [smem:$0x3FB2]  }
0x2b: {  	s6 =	sld [smem:$0x3FB3]  }
0x2c: {  	s7 =	sld [smem:$0x3FB4]  }
0x2d: {  	s3 =	simm.s32 $0x108;
	s8 =	sld [smem:$0x3FB5]  }
0x2e: {  	s3 =	simm.s32 @!p0 $0x1082;
	s9 =	sld [smem:$0x3FB6]  }
0x2f: {  	lr =	sadd.s32 s0, s3;
	s0 =	sld [smem:$0x3FAD]  }
0x30: {  	s3 =	sld [smem:$0x3FB0]  }
0x31: {  	[smem:$0x3FB9] =	sst s10  }
0x32: {  	s10 =	sld [smem:$0x3FB7];
	_ =	sdelay $0x3  }
0x33: {  	p0 =	seq.s32 s10, $0x1;
	s10 =	sld [smem:$0x3FB9];
	_ =	sdelay $0x3  }
0x34: {  	[smem:$0x3FB9] =	sst s10  }
0x35: {  	s10 =	sld [smem:$0x3FB8];
	_ =	sdelay $0x3  }
0x36: {  	p1 =	seq.s32 s10, $0x1;
	s10 =	sld [smem:$0x3FB9];
	_ =	sdelay $0x3  }
0x37: {  	[smem:$0x3FB9] =	sst s10  }
0x38: {  	s10 =	sld [smem:$0x3FBA]  }
0x39: {  	_ = 	snop;
	(pc) =	sbr.ind lr, $3  }
0x3a: {  	_ = 	snop  }
0x3b: {  	_ = 	snop  }
0x3c: {  	p2 =	seq.s32 s10, $0x1;
	s10 =	sld [smem:$0x3FB9]  }
0x3d: {  	_ =	shalt  }
0x3e: {  	_ =	shalt  }
0x3f: {  	_ =	shalt  }
0x40: {  	_ =	shalt  }
0x41: {  	_ =	shalt  }
0x42: {  	_ =	shalt  }
0x43: {  	_ =	shalt  }
0x44: {  	_ =	shalt  }
0x45: {  	_ =	shalt  }
0x46: {  	_ =	shalt  }
0x47: {  	_ =	shalt  }
0x48: {  	_ =	shalt  }
0x49: {  	_ =	shalt  }
0x4a: {  	_ =	shalt  }
0x4b: {  	_ =	shalt  }
0x4c: {  	_ =	shalt  }
0x4d: {  	_ =	shalt  }
0x4e: {  	_ =	shalt  }
0x4f: {  	_ =	shalt  }
0x50: {  	_ =	shalt  }
0x51: {  	_ =	shalt  }
0x52: {  	_ =	shalt  }
0x53: {  	_ =	shalt  }
0x54: {  	_ =	shalt  }
0x55: {  	_ =	shalt  }
0x56: {  	_ =	shalt  }
0x57: {  	_ =	shalt  }
0x58: {  	_ =	shalt  }
0x59: {  	_ =	shalt  }
0x5a: {  	_ =	shalt  }
0x5b: {  	_ =	shalt  }
0x5c: {  	_ =	shalt  }
0x5d: {  	_ =	shalt  }
0x5e: {  	_ =	shalt  }
0x5f: {  	_ =	shalt  }
0x60: {  	_ =	shalt  }
0x61: {  	_ =	shalt  }
0x62: {  	_ =	shalt  }
0x63: {  	_ =	shalt  }
0x64: {  	_ =	shalt  }
0x65: {  	_ =	shalt  }
0x66: {  	_ =	shalt  }
0x67: {  	_ =	shalt  }
0x68: {  	_ =	shalt  }
0x69: {  	_ =	shalt  }
0x6a: {  	_ =	shalt  }
0x6b: {  	_ =	shalt  }
0x6c: {  	_ =	shalt  }
0x6d: {  	_ =	shalt  }
0x6e: {  	_ =	shalt  }
0x6f: {  	_ =	shalt  }
0x70: {  	_ =	shalt  }
0x71: {  	_ =	shalt  }
0x72: {  	_ =	shalt  }
0x73: {  	_ =	shalt  }
0x74: {  	_ =	shalt  }
0x75: {  	_ =	shalt  }
0x76: {  	_ =	shalt  }
0x77: {  	_ =	shalt  }
0x78: {  	_ =	shalt  }
0x79: {  	_ =	shalt  }
0x7a: {  	_ =	shalt  }
0x7b: {  	_ =	shalt  }
0x7c: {  	_ =	shalt  }
0x7d: {  	_ =	shalt  }
0x7e: {  	_ =	shalt  }
0x7f: {  	_ =	shalt  }
0x80: {  	_ =	shalt  }
0x81: {  	_ =	shalt  }
0x82: {  	_ =	shalt  }
0x83: {  	_ =	shalt  }
0x84: {  	_ =	shalt  }
0x85: {  	_ =	shalt  }
0x86: {  	_ =	shalt  }
0x87: {  	_ =	shalt  }
.Lfunc_end0:
.L_simem_size_0:
called_computation_lowered:
.L_overlay_start_0:
0x88: {  	s2 =	sld [smem:$0x3FD9]  }
0x89: {  	s3 =	sld [smem:$0x3FFE];
	_ =	sdelay $0x1  }
0x8a: {  	s1 =	srdreg.scid  }
0x8b: {  	s0 =	sand.u32 $0x1, s1  }
0x8c: {  	s14 =	sshll.u32 s0, $0xA;
	s2 =	sadd.s32 s3, s2  }
0x8d: {  	s2 =	sadd.s32 s2, s14  }
0x8e: {  	[smem:$0x3FC5] =	sst s2  }
0x8f: {  	_ = 	snop  }
0x90: {  	s2 =	sld [smem:$0x3FD0];
	_ =	sdelay $0x2  }
0x91: {  	s15 =	simm.s32 $0xA;
	s4 =	simm.s32 $0x10  }
0x92: {  	[smem:s4], [sflag:s15] =	dma.local [hbm:s2], $0x1  }
0x93: {  	_ =	swait.eq [sflag:s15], $0x1  }
0x94: {  	[sflag:s15] =	ssyncset.done $0x0  }
0x95: {  	[sflag:s15] =	ssyncadd.s32 $0xFFFFFFFF  }
0x96: {  	s16 =	sld [smem:$0x10];
	(tm) =	ssettm $0x1  }
0x97: {  	s17 =	sld [smem:$0x3FFB];
	_ =	sdelay $0x3  }
0x98: {  	_ =	strace s17  }
0x99: {  	s3 =	sld [smem:$0x3FFC];
	_ =	sdelay $0x3  }
0x9a: {  	_ =	strace s3  }
0x9b: {  	s3 =	sld [smem:$0x3FFD];
	_ =	sdelay $0x3  }
0x9c: {  	_ =	strace s3  }
0x9d: {  	_ =	strace $0x8FFFFFFF  }
0x9e: {  	s18 =	sld [smem:$0x3FDB];
	_ =	sdelay $0x1  }
0x9f: {  	s19 =	simm.s32 $_scs_section_size  }
0xa0: {  	s5 =	simm.s32 $_size__tile_overlayer_lowered;
	s6 =	simm.s32 $_tile_overlayer_lowered  }
0xa1: {  	s22 =	simm.s32 $0x1BFF;
	s21 =	sshll.u32 s6, $0x1;
	s3 =	sadd.s32 s19, s18  }
0xa2: {  	s7 =	simm.s32 $0x0;
	s20 =	sshll.u32 s5, $0x1;
	s5 =	sadd.s32 s21, s3  }
0xa3: {  	[timem:s7], [sflag:s22] =	dma.local [hbm:s5], s20  }
0xa4: {  	_ =	swait.ge [sflag:s22], s20  }
0xa5: {  	s4 =	ssub.s32 $0x0, s20;
	[sflag:s22] =	ssyncset.done $0x0  }
0xa6: {  	[sflag:s22] =	ssyncadd.s32 s4;
	_ =	sdelay $0x1  }
0xa7: {  	s23 =	simm.s32 $0x1B8B  }
0xa8: {  	_ =	swait.ge [sflag:s23], $0x1  }
0xa9: {  	[sflag:s23] =	ssyncset.done $0x0  }
0xaa: {  	s25 =	simm.s32 $0x1B8E;
	s24 =	sld [smem:$0x3FFE];
	[sflag:s23] =	ssyncadd.s32 $0xFFFFFFFF  }
0xab: {  	s26 =	simm.s32 $execute0_lowered;
	[smem:$0x3FD2] =	sst s25  }
0xac: {  	s5 =	sshll.u32 s26, $0x1;
	_ =	strace $0x80000046;
	[dreg:$0x1] =	wrdreg $0xFFFFFFFF  }
0xad: {  	s28 =	simm.s32 $_size_execute0_lowered;
	s3 =	sadd.s32 s3, s5;
	[dreg:$0x0] =	wrdreg $0x0  }
0xae: {  	s5 =	sshll.u32 s28, $0x1;
	[dreg:$0x2] =	wrdreg s3  }
0xaf: {  	[dreg:$0x3] =	wrdreg s5  }
0xb0: {  	[dreg:$0x4] =	wrdreg $0xC0  }
0xb1: {  	_ =	task [dreg:s7], $0x5FFFF  }
0xb2: {  	[dreg:$0x1] =	wrdreg $0xFFFFFFFF  }
0xb3: {  	[dreg:$0x0] =	wrdreg $0x60  }
0xb4: {  	[dreg:$0x2] =	wrdreg s24  }
0xb5: {  	[dreg:$0x3] =	wrdreg s16  }
0xb6: {  	[dreg:$0x4] =	wrdreg $0x9  }
0xb7: {  	_ =	task.clear_ibuf [dreg:s7], $0x5FFFF;
	_ =	strace $0x90000046  }
0xb8: {  	s29 =	simm.s32 $0x9;
	_ =	strace $0x80000048  }
0xb9: {  	_ =	swait.ge [sflag:s29], $0x1  }
0xba: {  	[sflag:s29] =	ssyncadd.s32 $0xFFFFFFFF  }
0xbb: {  	_ =	strace $0x90000048  }
0xbc: {  	_ =	sfence  }
0xbd: {  	s30 =	sld [smem:$0x0];
	_ =	sdelay $0x2  }
0xbe: {  	s31 =	sshll.u32 s1, $0xD;
	s1 =	sshrl.u32 s1, $0x2  }
0xbf: {  	s3 =	sand.u32 $0x4000, s31;
	s1 =	sadd.s32 s1, s30  }
0xc0: {  	s0 =	sor.u32 s3, s0;
	s1 =	sshll.u32 s1, $0x11  }
0xc1: {  	s0 =	sor.u32 s1, s0  }
0xc2: {  	s0 =	sadd.s32 $0x8F2B, s0  }
0xc3: {  	[sflag:s0] =	ssyncadd.remote.s32 $0x1  }
0xc4: {  	_ =	sfence.sel $0xFFFF  }
0xc5: {  	[dreg:$0x0] =	wrdreg $0xFFFFFFFF;
	(pc) =	sbr.abs _section_cstart, $3  }
0xc6: {  	[dreg:$0x1] =	wrdreg $0xFFFFFFFF  }
0xc7: {  	_ =	task.clear_ibuf [dreg:s7], $0x2FFFF;
	_ =	strace $0x9FFFFFFF  }
0xc8: {  	(tm) =	ssettm $0x7FFFFFFF  }
0xc9: {  	_ =	shalt  }
tec
execute0_lowered:
.L_overlay_start_1:
0x0: {  	(tag) =	ssettag $0x1  }
0x1: {  	s1 =	srdreg.scid  }
0x2: {  	s5 =	rddreg [dreg:$0x0];
	s0 =	stileid.u32;
	s15 =	sand.u32 $0x1, s1  }
0x3: {  	s14 =	rddreg [dreg:$0x1];
	s3 =	sshll.u32 s0, $0xA;
	s4 =	sshll.u32 s15, $0x9  }
0x4: {  	s2 =	simm.s32 $0x0;
	s1 =	rddreg [dreg:$0x2];
	s13 =	sor.u32 s4, s3  }
0x5: {  	[smem:$0x7FF] =	sst s2;
	s16 =	sadd.s32 $0x800, s5;
	s3 =	sshrl.u32 s13, $0x3  }
0x6: {  	_ =	strace $0x80000047;
	s4 =	sadd.s32 s16, s3;
	s3 =	simm.s32 $0x2  }
0x7: {  	[tilespmem:s2], [sflag:$0x2] =	stream.linear.gather [hbm4b:s4+s2], $0x80, $0x38;
	[tilespmem:$0x1080] =	vst v63  }
0x8: {  	_ =	swait.ge [sflag:s3], $0x80  }
0x9: {  	s6 =	simm.s32 $0x80;
	[sflag:s3] =	ssyncset.done $0x0  }
0xa: {  	s7 =	simm.s32 $0x1;
	s5 =	sadd.s32 $0x187200, s5;
	[sflag:s3] =	ssyncadd.s32 $0xFFFFFF80  }
0xb: {  	[tilespmem:s6], [sflag:$0x1] =	stream.indirect.gather [hbm4b:s5+s6], $0x20, s2, s6, $0xb8;
	[tilespmem:$0x1080] =	vst v63  }
0xc: {  	_ =	swait.ge [sflag:s7], $0x1000  }
0xd: {  	s8 =	sshll.u32 s13, $0x2;
	[sflag:s7] =	ssyncset.done $0x0  }
0xe: {  	s8 =	sadd.s32 s14, s8;
	[sflag:s7] =	ssyncadd.s32 $0xFFFFF000  }
0xf: {  	[hbm4b:s8+s2] =	stream.linear.scatter [tilespmem:s6], [sflag:$0x2], $0x1000, $0x38;
	[tilespmem:$0x1080] =	vst v63  }
0x10: {  	s10 =	sor.u32 $0x80, s13;
	_ =	swait.ge [sflag:s3], $0x1000  }
0x11: {  	s9 =	sshrl.u32 s10, $0x3;
	[sflag:s3] =	ssyncset.done $0x0  }
0x12: {  	s9 =	sadd.s32 s16, s9;
	[sflag:s3] =	ssyncadd.s32 $0xFFFFF000  }
0x13: {  	[tilespmem:s2], [sflag:$0x2] =	stream.linear.gather [hbm4b:s9+s2], $0x80, $0x38;
	[tilespmem:$0x1080] =	vst v63  }
0x14: {  	_ =	swait.ge [sflag:s3], $0x80  }
0x15: {  	[sflag:s3] =	ssyncset.done $0x0  }
0x16: {  	[sflag:s3] =	ssyncadd.s32 $0xFFFFFF80  }
0x17: {  	[tilespmem:s6], [sflag:$0x1] =	stream.indirect.gather [hbm4b:s5+s6], $0x20, s2, s6, $0xb8;
	[tilespmem:$0x1080] =	vst v63  }
0x18: {  	_ =	swait.ge [sflag:s7], $0x1000  }
0x19: {  	s10 =	sshll.u32 s10, $0x2;
	[sflag:s7] =	ssyncset.done $0x0  }
0x1a: {  	s10 =	sadd.s32 s14, s10;
	[sflag:s7] =	ssyncadd.s32 $0xFFFFF000  }
0x1b: {  	[hbm4b:s10+s2] =	stream.linear.scatter [tilespmem:s6], [sflag:$0x2], $0x1000, $0x38;
	[tilespmem:$0x1080] =	vst v63  }
0x1c: {  	s12 =	sor.u32 $0x100, s13;
	_ =	swait.ge [sflag:s3], $0x1000  }
0x1d: {  	s11 =	sshrl.u32 s12, $0x3;
	[sflag:s3] =	ssyncset.done $0x0  }
0x1e: {  	s11 =	sadd.s32 s16, s11;
	[sflag:s3] =	ssyncadd.s32 $0xFFFFF000  }
0x1f: {  	[tilespmem:s2], [sflag:$0x2] =	stream.linear.gather [hbm4b:s11+s2], $0x80, $0x38;
	[tilespmem:$0x1080] =	vst v63  }
0x20: {  	_ =	swait.ge [sflag:s3], $0x80  }
0x21: {  	[sflag:s3] =	ssyncset.done $0x0  }
0x22: {  	[sflag:s3] =	ssyncadd.s32 $0xFFFFFF80  }
0x23: {  	[tilespmem:s6], [sflag:$0x1] =	stream.indirect.gather [hbm4b:s5+s6], $0x20, s2, s6, $0xb8;
	[tilespmem:$0x1080] =	vst v63  }
0x24: {  	_ =	swait.ge [sflag:s7], $0x1000  }
0x25: {  	s12 =	sshll.u32 s12, $0x2;
	[sflag:s7] =	ssyncset.done $0x0  }
0x26: {  	s12 =	sadd.s32 s14, s12;
	[sflag:s7] =	ssyncadd.s32 $0xFFFFF000  }
0x27: {  	[hbm4b:s12+s2] =	stream.linear.scatter [tilespmem:s6], [sflag:$0x2], $0x1000, $0x38;
	[tilespmem:$0x1080] =	vst v63  }
0x28: {  	s17 =	sor.u32 $0x180, s13;
	_ =	swait.ge [sflag:s3], $0x1000  }
0x29: {  	s13 =	sshrl.u32 s17, $0x3;
	[sflag:s3] =	ssyncset.done $0x0  }
0x2a: {  	s15 =	ssub.s32 $0x2, s15;
	s13 =	sadd.s32 s16, s13;
	[sflag:s3] =	ssyncadd.s32 $0xFFFFF000  }
0x2b: {  	[tilespmem:s2], [sflag:$0x2] =	stream.linear.gather [hbm4b:s13+s2], $0x80, $0x38;
	[tilespmem:$0x1080] =	vst v63  }
0x2c: {  	s30 =	sshrl.u32 s15, $0x1;
	_ =	swait.ge [sflag:s3], $0x80  }
0x2d: {  	s15 =	ssub.s32 s15, s30;
	[sflag:s3] =	ssyncset.done $0x0  }
0x2e: {  	s15 =	smax.u32 s15, $0x1;
	[sflag:s3] =	ssyncadd.s32 $0xFFFFFF80  }
0x2f: {  	[tilespmem:s6], [sflag:$0x1] =	stream.indirect.gather [hbm4b:s5+s6], $0x20, s2, s6, $0xb8;
	[tilespmem:$0x1080] =	vst v63  }
0x30: {  	p0 =	sne.s32 s15, $0x1;
	_ =	swait.ge [sflag:s7], $0x1000  }
.Ltmp0:
0x31: {  	s31 =	sshll.u32 s17, $0x2;
	[sflag:s7] =	ssyncset.done $0x0;
	(pc) =	sbr.rel @!p0 .LBB2_2-.Ltmp0, $4  }
0x32: {  	s14 =	sadd.s32 s14, s31;
	[sflag:s7] =	ssyncadd.s32 $0xFFFFF000  }
0x33: {  	[hbm4b:s14+s2] =	stream.linear.scatter [tilespmem:s6], [sflag:$0x2], $0x1000, $0x38;
	[tilespmem:$0x1080] =	vst v63  }
0x34: {  	_ =	swait.ge [sflag:s3], $0x1000  }
0x35: {  	s15 =	sadd.s32 $0xFFFFFFFF, s15;
	[sflag:s3] =	ssyncset.done $0x0  }
.LBB2_1:
0x36: {  	p0 =	sne.s32 s15, $0x1;
	s15 =	sadd.s32 $0xFFFFFFFF, s15;
	[sflag:s3] =	ssyncadd.s32 $0xFFFFF000  }
0x37: {  	[tilespmem:s2], [sflag:$0x2] =	stream.linear.gather [hbm4b:s4+s2], $0x80, $0x38;
	[tilespmem:$0x1080] =	vst v63  }
0x38: {  	_ =	swait.ge [sflag:s3], $0x80  }
0x39: {  	[sflag:s3] =	ssyncset.done $0x0  }
0x3a: {  	[sflag:s3] =	ssyncadd.s32 $0xFFFFFF80  }
0x3b: {  	[tilespmem:s6], [sflag:$0x1] =	stream.indirect.gather [hbm4b:s5+s6], $0x20, s2, s6, $0xb8;
	[tilespmem:$0x1080] =	vst v63  }
0x3c: {  	_ =	swait.ge [sflag:s7], $0x1000  }
0x3d: {  	[sflag:s7] =	ssyncset.done $0x0  }
0x3e: {  	[sflag:s7] =	ssyncadd.s32 $0xFFFFF000  }
0x3f: {  	[hbm4b:s8+s2] =	stream.linear.scatter [tilespmem:s6], [sflag:$0x2], $0x1000, $0x38;
	[tilespmem:$0x1080] =	vst v63  }
0x40: {  	_ =	swait.ge [sflag:s3], $0x1000  }
0x41: {  	[sflag:s3] =	ssyncset.done $0x0  }
0x42: {  	[sflag:s3] =	ssyncadd.s32 $0xFFFFF000  }
0x43: {  	[tilespmem:s2], [sflag:$0x2] =	stream.linear.gather [hbm4b:s9+s2], $0x80, $0x38;
	[tilespmem:$0x1080] =	vst v63  }
0x44: {  	_ =	swait.ge [sflag:s3], $0x80  }
0x45: {  	[sflag:s3] =	ssyncset.done $0x0  }
0x46: {  	[sflag:s3] =	ssyncadd.s32 $0xFFFFFF80  }
0x47: {  	[tilespmem:s6], [sflag:$0x1] =	stream.indirect.gather [hbm4b:s5+s6], $0x20, s2, s6, $0xb8;
	[tilespmem:$0x1080] =	vst v63  }
0x48: {  	_ =	swait.ge [sflag:s7], $0x1000  }
0x49: {  	[sflag:s7] =	ssyncset.done $0x0  }
0x4a: {  	[sflag:s7] =	ssyncadd.s32 $0xFFFFF000  }
0x4b: {  	[hbm4b:s10+s2] =	stream.linear.scatter [tilespmem:s6], [sflag:$0x2], $0x1000, $0x38;
	[tilespmem:$0x1080] =	vst v63  }
0x4c: {  	_ =	swait.ge [sflag:s3], $0x1000  }
0x4d: {  	[sflag:s3] =	ssyncset.done $0x0  }
0x4e: {  	[sflag:s3] =	ssyncadd.s32 $0xFFFFF000  }
0x4f: {  	[tilespmem:s2], [sflag:$0x2] =	stream.linear.gather [hbm4b:s11+s2], $0x80, $0x38;
	[tilespmem:$0x1080] =	vst v63  }
0x50: {  	_ =	swait.ge [sflag:s3], $0x80  }
0x51: {  	[sflag:s3] =	ssyncset.done $0x0  }
0x52: {  	[sflag:s3] =	ssyncadd.s32 $0xFFFFFF80  }
0x53: {  	[tilespmem:s6], [sflag:$0x1] =	stream.indirect.gather [hbm4b:s5+s6], $0x20, s2, s6, $0xb8;
	[tilespmem:$0x1080] =	vst v63  }
0x54: {  	_ =	swait.ge [sflag:s7], $0x1000  }
0x55: {  	[sflag:s7] =	ssyncset.done $0x0  }
0x56: {  	[sflag:s7] =	ssyncadd.s32 $0xFFFFF000  }
0x57: {  	[hbm4b:s12+s2] =	stream.linear.scatter [tilespmem:s6], [sflag:$0x2], $0x1000, $0x38;
	[tilespmem:$0x1080] =	vst v63  }
0x58: {  	_ =	swait.ge [sflag:s3], $0x1000  }
0x59: {  	[sflag:s3] =	ssyncset.done $0x0  }
0x5a: {  	[sflag:s3] =	ssyncadd.s32 $0xFFFFF000  }
0x5b: {  	[tilespmem:s2], [sflag:$0x2] =	stream.linear.gather [hbm4b:s13+s2], $0x80, $0x38;
	[tilespmem:$0x1080] =	vst v63  }
0x5c: {  	_ =	swait.ge [sflag:s3], $0x80  }
0x5d: {  	[sflag:s3] =	ssyncset.done $0x0  }
0x5e: {  	[sflag:s3] =	ssyncadd.s32 $0xFFFFFF80  }
0x5f: {  	[tilespmem:s6], [sflag:$0x1] =	stream.indirect.gather [hbm4b:s5+s6], $0x20, s2, s6, $0xb8;
	[tilespmem:$0x1080] =	vst v63  }
0x60: {  	_ =	swait.ge [sflag:s7], $0x1000  }
.Ltmp1:
0x61: {  	[sflag:s7] =	ssyncset.done $0x0;
	(pc) =	sbr.rel @p0 .LBB2_1-.Ltmp1, $4  }
0x62: {  	[sflag:s7] =	ssyncadd.s32 $0xFFFFF000  }
0x63: {  	[hbm4b:s14+s2] =	stream.linear.scatter [tilespmem:s6], [sflag:$0x2], $0x1000, $0x38;
	[tilespmem:$0x1080] =	vst v63  }
0x64: {  	_ =	swait.ge [sflag:s3], $0x1000  }
0x65: {  	[sflag:s3] =	ssyncset.done $0x0  }
.LBB2_2:
0x66: {  	[sflag:s3] =	ssyncadd.s32 $0xFFFFF000  }
0x67: {  	_ =	sfence.sel $0x180000  }
0x68: {  	[bflag:$0x0] =	sbarrier.arrive $0xFFFF  }
0x69: {  	p0 =	sne.s32 s0, $0x0;
	_ =	strace $0x90000047  }
0x6a: {  	s0 =	sadd.s32 @!p0 $0x100000, s1;
	[bflag:$0x2] =	sbarrier.arrive $0xFFFF  }
0x6b: {  	[sflag:s0] =	ssyncadd.tile.s32 @!p0 $0x1;
	_ =	shalt  }
.Lfunc_end2:
_tile_overlayer_lowered:
.L_overlay_start_2:
0x6c: {  	(tag) =	ssettag $0x2  }
0x6d: {  	s0 =	rddreg [dreg:$0x0];
	s2 =	stileid.u32  }
0x6e: {  	s1 =	rddreg [dreg:$0x1];
	p0 =	sne.s32 s2, $0x0  }
0x6f: {  	s3 =	rddreg [dreg:$0x2];
	[bflag:$0x3] =	sbarrier.arrive $0xFFFF;
	s2 =	simm.s32 @!p0 $0x1C02  }
0x70: {  	[timem:s3], [sflag:s2] =	dma.local @!p0 [hbm:s0], s1  }
0x71: {  	s0 =	simm.s32 @!p0 $0x2  }
0x72: {  	_ =	swait.ge @!p0 [sflag:s0], s1  }
0x73: {  	s1 =	ssub.s32 @!p0 $0x0, s1;
	[sflag:s0] =	ssyncset.done @!p0 $0x0  }
0x74: {  	[sflag:s0] =	ssyncadd.s32 @!p0 s1  }
0x75: {  	[bflag:$0x3] =	sbarrier.arrive $0xFFFF  }
0x76: {  	_ =	shalt  }

</sc_bundles>
